<compile_context>
chip_gen: v7x
topology: tpu7x:2x2x1
jax: 0.10.2.dev20260603
libtpu: 0.0.44.dev20260713+nightly
codegen_flags: <defaults>
</compile_context>

<pallas_src>
import functools

import jax
import jax.numpy as jnp
from jax import lax
from jax.experimental import pallas as pl
from jax.experimental.pallas import tpu as pltpu
from jax.experimental.pallas import tpu_sc as plsc

NC, NS, L = 2, 16, 16
NW = NC * NS
C = 128
N_PARTS = 20
D = 64
CB = 2048


def _repack_body(x1_ref, x2_ref, eye_ref, o_ref):
    eye = eye_ref[...]
    dn = (((0,), (0,)), ((), ()))
    o_ref[:, 0:D] = lax.dot_general(x1_ref[...], eye, dn,
                                    preferred_element_type=jnp.float32)
    o_ref[:, D:2 * D] = lax.dot_general(x2_ref[...], eye, dn,
                                        preferred_element_type=jnp.float32)


def _repack(otabT, V):
    n_blocks = (V + CB - 1) // CB
    n_pair_rows = n_blocks * (CB // 2)
    max_bc = (V + CB // 2 - 1) // (CB // 2) - 1
    eye = jnp.eye(D, dtype=jnp.float32)
    return pl.pallas_call(
        _repack_body,
        grid=(n_blocks,),
        in_specs=[
            pl.BlockSpec((D, CB // 2), lambda i: (0, 2 * i)),
            pl.BlockSpec((D, CB // 2),
                         lambda i: (0, jnp.minimum(2 * i + 1, max_bc))),
            pl.BlockSpec((D, D), lambda i: (0, 0)),
        ],
        out_specs=pl.BlockSpec((CB // 2, 2 * D), lambda i: (i, 0)),
        out_shape=jax.ShapeDtypeStruct((n_pair_rows, 2 * D), jnp.float32),
    )(otabT, otabT, eye)


def _sc_body(tpr, opr, spr, tpairs, opairs, spairs,
             t_out, o_out, s_out,
             tidx_v, oidx_v, sidx_v, trows, orows, srows,
             sem_t, sem_o, sem_s):
    wid = lax.axis_index("s") * NC + lax.axis_index("c")
    rows_per_worker = tpr.shape[0] // NW
    n_chunks = rows_per_worker // C

    for c in range(n_chunks):
        base = wid * rows_per_worker + c * C

        pltpu.sync_copy(tpr.at[pl.ds(base, C)], tidx_v)
        pltpu.sync_copy(opr.at[pl.ds(base, C)], oidx_v)
        pltpu.sync_copy(spr.at[pl.ds(base, C)], sidx_v)

        cp_o = pltpu.async_copy(opairs.at[oidx_v], orows, sem_o)
        cp_t = pltpu.async_copy(tpairs.at[tidx_v], trows, sem_t)
        cp_s = pltpu.async_copy(spairs.at[sidx_v], srows, sem_s)
        cp_o.wait()
        cp_t.wait()
        cp_s.wait()

        pltpu.sync_copy(trows, t_out.at[pl.ds(base, C)])
        pltpu.sync_copy(orows, o_out.at[pl.ds(base, C)])
        pltpu.sync_copy(srows, s_out.at[pl.ds(base, C)])


def _sc_gather(tpr, opr, spr, tpairs, opairs, spairs, B):
    mesh = plsc.VectorSubcoreMesh(core_axis_name="c", subcore_axis_name="s")
    pr = jax.ShapeDtypeStruct((B, 2 * D), jnp.float32)
    f = pl.kernel(
        _sc_body,
        out_type=(pr, pr, pr),
        mesh=mesh,
        scratch_types=[
            pltpu.VMEM((C,), jnp.int32),
            pltpu.VMEM((C,), jnp.int32),
            pltpu.VMEM((C,), jnp.int32),
            pltpu.VMEM((C, 2 * D), jnp.float32),
            pltpu.VMEM((C, 2 * D), jnp.float32),
            pltpu.VMEM((C, 2 * D), jnp.float32),
            pltpu.SemaphoreType.DMA,
            pltpu.SemaphoreType.DMA,
            pltpu.SemaphoreType.DMA,
        ],
    )
    return f(tpr, opr, spr, tpairs, opairs, spairs)


def _finish_body(t_ref, o_ref2, s_ref, th_ref, oh_ref, sh_ref,
                 p_ref, w_ref, b_ref, out_ref):
    t = t_ref[...]
    o = o_ref2[...]
    s = s_ref[...]
    out_ref[:, 0:D] = jnp.where(th_ref[...] > 0.5, t[:, D:2 * D], t[:, 0:D])
    out_ref[:, D:2 * D] = jnp.where(oh_ref[...] > 0.5, o[:, D:2 * D], o[:, 0:D])
    out_ref[:, 2 * D:3 * D] = jnp.where(sh_ref[...] > 0.5, s[:, D:2 * D], s[:, 0:D])

    p = p_ref[...]
    w0 = w_ref[0:1, :]
    w1 = w_ref[1:2, :]
    acc = None
    for j in range(N_PARTS):
        p0 = p[:, 2 * j:2 * j + 1]
        p1 = p[:, 2 * j + 1:2 * j + 2]
        v = p0 * w0 + p1 * w1
        acc = v if acc is None else jnp.maximum(acc, v)
    out_ref[:, 3 * D:4 * D] = acc + b_ref[...]


def _finish(tg, og, sg, th, oh, sh, pflat, part_W, part_b, B):
    BB = 512
    vec = pl.BlockSpec((BB, 2 * D), lambda i: (i, 0))
    col = pl.BlockSpec((BB, 1), lambda i: (i, 0))
    return pl.pallas_call(
        _finish_body,
        grid=(B // BB,),
        in_specs=[
            vec, vec, vec, col, col, col,
            pl.BlockSpec((BB, 2 * N_PARTS), lambda i: (i, 0)),
            pl.BlockSpec((2, D), lambda i: (0, 0)),
            pl.BlockSpec((1, D), lambda i: (0, 0)),
        ],
        out_specs=pl.BlockSpec((BB, 4 * D), lambda i: (i, 0)),
        out_shape=jax.ShapeDtypeStruct((B, 4 * D), jnp.float32),
    )(tg, og, sg, th, oh, sh, pflat, part_W, part_b.reshape(1, D))


def kernel(tasks, object_classes, states, parts, task_table, object_table,
           state_table, part_W, part_b):
    B = parts.shape[0]
    V = object_table.shape[0]
    pflat = parts.reshape(B, 2 * N_PARTS).astype(jnp.float32)
    tidx = tasks.astype(jnp.int32)
    oidx = object_classes.astype(jnp.int32)
    sidx = states.astype(jnp.int32)

    opairs = object_table.reshape(V // 2, 2 * D)
    tpairs = task_table.reshape(task_table.shape[0] // 2, 2 * D)
    spairs = state_table.reshape(state_table.shape[0] // 2, 2 * D)

    opr = oidx >> 1
    oh = (oidx & 1).astype(jnp.float32).reshape(B, 1)
    tpr = tidx >> 1
    th = (tidx & 1).astype(jnp.float32).reshape(B, 1)
    spr = sidx >> 1
    sh = (sidx & 1).astype(jnp.float32).reshape(B, 1)

    tg, og, sg = _sc_gather(tpr, opr, spr, tpairs, opairs, spairs, B)
    return _finish(tg, og, sg, th, oh, sh, pflat, part_W, part_b, B)

# --- scband reference (transcript-rebuilt; emitter-appended) ---
"""Pipeline reference for scband-object-encoder-22462678958775 (READ-ONLY COPY).

The authoritative reference and input builder live on the scoring server;
editing this copy changes nothing except your own understanding.
"""

import jax, jax.numpy as jnp
import numpy as np

B = 16384
TASK_V, OBJ_V, STATE_V = 1000, 1000000, 1000
TASK_D, OBJ_D, STATE_D, PART_D = 64, 64, 64, 64
N_PARTS = 20


def setup_inputs(seed: int = 0) -> dict:
    key = jax.random.key(seed)
    ks = jax.random.split(key, 9)
    tasks = jax.random.randint(ks[0], (B,), 0, TASK_V, dtype=jnp.int64) if jax.config.jax_enable_x64 else jax.random.randint(ks[0], (B,), 0, TASK_V)
    object_classes = jax.random.randint(ks[1], (B,), 0, OBJ_V)
    states = jax.random.randint(ks[2], (B,), 0, STATE_V)
    parts = jax.random.normal(ks[3], (B, N_PARTS, 2), dtype=jnp.float32)
    task_table = jax.random.normal(ks[4], (TASK_V, TASK_D), dtype=jnp.float32) * 0.02
    object_table = jax.random.normal(ks[5], (OBJ_V, OBJ_D), dtype=jnp.float32) * 0.02
    state_table = jax.random.normal(ks[6], (STATE_V, STATE_D), dtype=jnp.float32) * 0.02
    part_W = jax.random.normal(ks[7], (2, PART_D), dtype=jnp.float32) * 0.5
    part_b = jnp.zeros((PART_D,), dtype=jnp.float32)
    return {"tasks": tasks, "object_classes": object_classes, "states": states, "parts": parts,
            "task_table": task_table, "object_table": object_table, "state_table": state_table,
            "part_W": part_W, "part_b": part_b}


def reference(tasks, object_classes, states, parts, task_table, object_table, state_table, part_W, part_b):
    batch_size = parts.shape[0]
    p = parts.reshape(batch_size, -1, 2)
    # part_encoder: pointwise linear (2 -> part_encoder_dim) applied per part
    parts_encodes_all = jnp.dot(p, part_W) + part_b
    # pooling_method == 'max'
    parts_encodes = jnp.max(parts_encodes_all, axis=1)
    task_embeds = jnp.take(task_table, tasks, axis=0)
    object_embeds = jnp.take(object_table, object_classes, axis=0)
    state_embeds = jnp.take(state_table, states, axis=0)
    all_encodes = jnp.concatenate((task_embeds, object_embeds, state_embeds, parts_encodes), axis=1)
    return all_encodes

if __name__ == "__main__":
    import jax
    _d = setup_inputs()
    print(jax.jit(kernel)(*tuple(_d.values())))

</pallas_src>

<mosaic_0001>
#map = affine_map<(d0, d1) -> (0)>
#map1 = affine_map<(d0, d1) -> (0, 0)>
module attributes {stable_mosaic.version = 14 : i64} {
  func.func @_sc_body(%arg0: i32, %arg1: i32, %arg2: memref<16384xi32, #tpu.memory_space<hbm>>, %arg3: memref<16384xi32, #tpu.memory_space<hbm>>, %arg4: memref<16384xi32, #tpu.memory_space<hbm>>, %arg5: memref<500x128xf32, #tpu.memory_space<hbm>>, %arg6: memref<500000x128xf32, #tpu.memory_space<hbm>>, %arg7: memref<500x128xf32, #tpu.memory_space<hbm>>, %arg8: memref<16384x128xf32, #tpu.memory_space<hbm>>, %arg9: memref<16384x128xf32, #tpu.memory_space<hbm>>, %arg10: memref<16384x128xf32, #tpu.memory_space<hbm>>, %arg11: memref<128xi32, #tpu.memory_space<vmem>>, %arg12: memref<128xi32, #tpu.memory_space<vmem>>, %arg13: memref<128xi32, #tpu.memory_space<vmem>>, %arg14: memref<128x128xf32, #tpu.memory_space<vmem>>, %arg15: memref<128x128xf32, #tpu.memory_space<vmem>>, %arg16: memref<128x128xf32, #tpu.memory_space<vmem>>, %arg17: memref<!tpu.dma_semaphore, #tpu.memory_space<semaphore_mem>>, %arg18: memref<!tpu.dma_semaphore, #tpu.memory_space<semaphore_mem>>, %arg19: memref<!tpu.dma_semaphore, #tpu.memory_space<semaphore_mem>>) attributes {dimension_semantics = [#tpu.dimension_semantics<core_parallel>, #tpu.dimension_semantics<subcore_parallel>], iteration_bounds = array<i64: 2, 16>, scalar_prefetch = 0 : i64, scratch_operands = 9 : i64, tpu.core_type = #tpu.core_type<sc_vector_subcore>, window_params = [{transform_indices = #map}, {transform_indices = #map}, {transform_indices = #map}, {transform_indices = #map1}, {transform_indices = #map1}, {transform_indices = #map1}, {transform_indices = #map1}, {transform_indices = #map1}, {transform_indices = #map1}]} {
    %mul3A = arith.constant 2 : i32
    %mul3A_0 = arith.muli %arg1, %mul3A : i32
    %add3A = arith.addi %mul3A_0, %arg0 : i32
    %mul3A_1 = arith.constant 512 : i32
    %mul3A_2 = arith.muli %add3A, %mul3A_1 : i32
    %add3A_3 = arith.constant 0 : i32
    %add3A_4 = arith.addi %mul3A_2, %add3A_3 : i32
    "tpu.region"() ({
      %run_scoped3A = tpu.sem_alloc : memref<!tpu.dma_semaphore, #tpu.memory_space<semaphore_mem>>
      %dma_start3A_87 = tpu.memref_slice %arg2[%add3A_4] : memref<16384xi32, #tpu.memory_space<hbm>> -> memref<128xi32, #tpu.memory_space<hbm>>
      %dma_start3A_88 = tpu.memref_slice %arg2[%add3A_4] : memref<16384xi32, #tpu.memory_space<hbm>> -> memref<128xi32, #tpu.memory_space<hbm>>
      tpu.enqueue_dma source(%dma_start3A_88 : memref<128xi32, #tpu.memory_space<hbm>>) target(%arg11 : memref<128xi32, #tpu.memory_space<vmem>>) target_semaphore(%run_scoped3A : memref<!tpu.dma_semaphore, #tpu.memory_space<semaphore_mem>>)
      %dma_wait3A_89 = tpu.memref_slice %arg2[%add3A_4] : memref<16384xi32, #tpu.memory_space<hbm>> -> memref<128xi32, #tpu.memory_space<hbm>>
      %dma_wait3A_90 = tpu.memref_slice %arg2[%add3A_4] : memref<16384xi32, #tpu.memory_space<hbm>> -> memref<128xi32, #tpu.memory_space<hbm>>
      tpu.wait_dma2 semaphore(%run_scoped3A : memref<!tpu.dma_semaphore, #tpu.memory_space<semaphore_mem>>) src(%dma_wait3A_90 : memref<128xi32, #tpu.memory_space<hbm>>) dst(%arg11 : memref<128xi32, #tpu.memory_space<vmem>>)
      tpu.yield
    }) : () -> ()
    "tpu.region"() ({
      %run_scoped3A = tpu.sem_alloc : memref<!tpu.dma_semaphore, #tpu.memory_space<semaphore_mem>>
      %dma_start3A_87 = tpu.memref_slice %arg3[%add3A_4] : memref<16384xi32, #tpu.memory_space<hbm>> -> memref<128xi32, #tpu.memory_space<hbm>>
      %dma_start3A_88 = tpu.memref_slice %arg3[%add3A_4] : memref<16384xi32, #tpu.memory_space<hbm>> -> memref<128xi32, #tpu.memory_space<hbm>>
      tpu.enqueue_dma source(%dma_start3A_88 : memref<128xi32, #tpu.memory_space<hbm>>) target(%arg12 : memref<128xi32, #tpu.memory_space<vmem>>) target_semaphore(%run_scoped3A : memref<!tpu.dma_semaphore, #tpu.memory_space<semaphore_mem>>)
      %dma_wait3A_89 = tpu.memref_slice %arg3[%add3A_4] : memref<16384xi32, #tpu.memory_space<hbm>> -> memref<128xi32, #tpu.memory_space<hbm>>
      %dma_wait3A_90 = tpu.memref_slice %arg3[%add3A_4] : memref<16384xi32, #tpu.memory_space<hbm>> -> memref<128xi32, #tpu.memory_space<hbm>>
      tpu.wait_dma2 semaphore(%run_scoped3A : memref<!tpu.dma_semaphore, #tpu.memory_space<semaphore_mem>>) src(%dma_wait3A_90 : memref<128xi32, #tpu.memory_space<hbm>>) dst(%arg12 : memref<128xi32, #tpu.memory_space<vmem>>)
      tpu.yield
    }) : () -> ()
    "tpu.region"() ({
      %run_scoped3A = tpu.sem_alloc : memref<!tpu.dma_semaphore, #tpu.memory_space<semaphore_mem>>
      %dma_start3A_87 = tpu.memref_slice %arg4[%add3A_4] : memref<16384xi32, #tpu.memory_space<hbm>> -> memref<128xi32, #tpu.memory_space<hbm>>
      %dma_start3A_88 = tpu.memref_slice %arg4[%add3A_4] : memref<16384xi32, #tpu.memory_space<hbm>> -> memref<128xi32, #tpu.memory_space<hbm>>
      tpu.enqueue_dma source(%dma_start3A_88 : memref<128xi32, #tpu.memory_space<hbm>>) target(%arg13 : memref<128xi32, #tpu.memory_space<vmem>>) target_semaphore(%run_scoped3A : memref<!tpu.dma_semaphore, #tpu.memory_space<semaphore_mem>>)
      %dma_wait3A_89 = tpu.memref_slice %arg4[%add3A_4] : memref<16384xi32, #tpu.memory_space<hbm>> -> memref<128xi32, #tpu.memory_space<hbm>>
      %dma_wait3A_90 = tpu.memref_slice %arg4[%add3A_4] : memref<16384xi32, #tpu.memory_space<hbm>> -> memref<128xi32, #tpu.memory_space<hbm>>
      tpu.wait_dma2 semaphore(%run_scoped3A : memref<!tpu.dma_semaphore, #tpu.memory_space<semaphore_mem>>) src(%dma_wait3A_90 : memref<128xi32, #tpu.memory_space<hbm>>) dst(%arg13 : memref<128xi32, #tpu.memory_space<vmem>>)
      tpu.yield
    }) : () -> ()
    %dma_start3A = arith.constant 0 : i32
    %dma_start3A_5 = arith.constant 0 : i32
    %dma_start3A_6 = tpu.memref_slice %arg6[%dma_start3A, %dma_start3A_5] : memref<500000x128xf32, #tpu.memory_space<hbm>> -> memref<500000x128xf32, #tpu.memory_space<hbm>>
    tpu.enqueue_indirect_dma source(%dma_start3A_6 : memref<500000x128xf32, #tpu.memory_space<hbm>>) target(%arg15 : memref<128x128xf32, #tpu.memory_space<vmem>>) offsets(%arg12 : memref<128xi32, #tpu.memory_space<vmem>>) semaphore(%arg18 : memref<!tpu.dma_semaphore, #tpu.memory_space<semaphore_mem>>)
    %dma_start3A_7 = arith.constant 0 : i32
    %dma_start3A_8 = arith.constant 0 : i32
    %dma_start3A_9 = tpu.memref_slice %arg5[%dma_start3A_7, %dma_start3A_8] : memref<500x128xf32, #tpu.memory_space<hbm>> -> memref<500x128xf32, #tpu.memory_space<hbm>>
    tpu.enqueue_indirect_dma source(%dma_start3A_9 : memref<500x128xf32, #tpu.memory_space<hbm>>) target(%arg14 : memref<128x128xf32, #tpu.memory_space<vmem>>) offsets(%arg11 : memref<128xi32, #tpu.memory_space<vmem>>) semaphore(%arg17 : memref<!tpu.dma_semaphore, #tpu.memory_space<semaphore_mem>>)
    %dma_start3A_10 = arith.constant 0 : i32
    %dma_start3A_11 = arith.constant 0 : i32
    %dma_start3A_12 = tpu.memref_slice %arg7[%dma_start3A_10, %dma_start3A_11] : memref<500x128xf32, #tpu.memory_space<hbm>> -> memref<500x128xf32, #tpu.memory_space<hbm>>
    tpu.enqueue_indirect_dma source(%dma_start3A_12 : memref<500x128xf32, #tpu.memory_space<hbm>>) target(%arg16 : memref<128x128xf32, #tpu.memory_space<vmem>>) offsets(%arg13 : memref<128xi32, #tpu.memory_space<vmem>>) semaphore(%arg19 : memref<!tpu.dma_semaphore, #tpu.memory_space<semaphore_mem>>)
    %dma_wait3A = arith.constant 0 : i32
    %dma_wait3A_13 = arith.constant 0 : i32
    %dma_wait3A_14 = tpu.memref_slice %arg6[%dma_wait3A, %dma_wait3A_13] : memref<500000x128xf32, #tpu.memory_space<hbm>> -> memref<500000x128xf32, #tpu.memory_space<hbm>>
    tpu.wait_indirect_dma semaphore(%arg18 : memref<!tpu.dma_semaphore, #tpu.memory_space<semaphore_mem>>) src(%dma_wait3A_14 : memref<500000x128xf32, #tpu.memory_space<hbm>>) dst(%arg15 : memref<128x128xf32, #tpu.memory_space<vmem>>)
    %dma_wait3A_15 = arith.constant 0 : i32
    %dma_wait3A_16 = arith.constant 0 : i32
    %dma_wait3A_17 = tpu.memref_slice %arg5[%dma_wait3A_15, %dma_wait3A_16] : memref<500x128xf32, #tpu.memory_space<hbm>> -> memref<500x128xf32, #tpu.memory_space<hbm>>
    tpu.wait_indirect_dma semaphore(%arg17 : memref<!tpu.dma_semaphore, #tpu.memory_space<semaphore_mem>>) src(%dma_wait3A_17 : memref<500x128xf32, #tpu.memory_space<hbm>>) dst(%arg14 : memref<128x128xf32, #tpu.memory_space<vmem>>)
    %dma_wait3A_18 = arith.constant 0 : i32
    %dma_wait3A_19 = arith.constant 0 : i32
    %dma_wait3A_20 = tpu.memref_slice %arg7[%dma_wait3A_18, %dma_wait3A_19] : memref<500x128xf32, #tpu.memory_space<hbm>> -> memref<500x128xf32, #tpu.memory_space<hbm>>
    tpu.wait_indirect_dma semaphore(%arg19 : memref<!tpu.dma_semaphore, #tpu.memory_space<semaphore_mem>>) src(%dma_wait3A_20 : memref<500x128xf32, #tpu.memory_space<hbm>>) dst(%arg16 : memref<128x128xf32, #tpu.memory_space<vmem>>)
    "tpu.region"() ({
      %run_scoped3A = tpu.sem_alloc : memref<!tpu.dma_semaphore, #tpu.memory_space<semaphore_mem>>
      %dma_start3A_87 = arith.constant 0 : i32
      %dma_start3A_88 = tpu.memref_slice %arg8[%add3A_4, %dma_start3A_87] : memref<16384x128xf32, #tpu.memory_space<hbm>> -> memref<128x128xf32, #tpu.memory_space<hbm>>
      %dma_start3A_89 = arith.constant 0 : i32
      %dma_start3A_90 = tpu.memref_slice %arg8[%add3A_4, %dma_start3A_89] : memref<16384x128xf32, #tpu.memory_space<hbm>> -> memref<128x128xf32, #tpu.memory_space<hbm>>
      tpu.enqueue_dma source(%arg14 : memref<128x128xf32, #tpu.memory_space<vmem>>) target(%dma_start3A_90 : memref<128x128xf32, #tpu.memory_space<hbm>>) target_semaphore(%run_scoped3A : memref<!tpu.dma_semaphore, #tpu.memory_space<semaphore_mem>>)
      %dma_wait3A_91 = arith.constant 0 : i32
      %dma_wait3A_92 = tpu.memref_slice %arg8[%add3A_4, %dma_wait3A_91] : memref<16384x128xf32, #tpu.memory_space<hbm>> -> memref<128x128xf32, #tpu.memory_space<hbm>>
      %dma_wait3A_93 = arith.constant 0 : i32
      %dma_wait3A_94 = tpu.memref_slice %arg8[%add3A_4, %dma_wait3A_93] : memref<16384x128xf32, #tpu.memory_space<hbm>> -> memref<128x128xf32, #tpu.memory_space<hbm>>
      tpu.wait_dma2 semaphore(%run_scoped3A : memref<!tpu.dma_semaphore, #tpu.memory_space<semaphore_mem>>) src(%arg14 : memref<128x128xf32, #tpu.memory_space<vmem>>) dst(%dma_wait3A_94 : memref<128x128xf32, #tpu.memory_space<hbm>>)
      tpu.yield
    }) : () -> ()
    "tpu.region"() ({
      %run_scoped3A = tpu.sem_alloc : memref<!tpu.dma_semaphore, #tpu.memory_space<semaphore_mem>>
      %dma_start3A_87 = arith.constant 0 : i32
      %dma_start3A_88 = tpu.memref_slice %arg9[%add3A_4, %dma_start3A_87] : memref<16384x128xf32, #tpu.memory_space<hbm>> -> memref<128x128xf32, #tpu.memory_space<hbm>>
      %dma_start3A_89 = arith.constant 0 : i32
      %dma_start3A_90 = tpu.memref_slice %arg9[%add3A_4, %dma_start3A_89] : memref<16384x128xf32, #tpu.memory_space<hbm>> -> memref<128x128xf32, #tpu.memory_space<hbm>>
      tpu.enqueue_dma source(%arg15 : memref<128x128xf32, #tpu.memory_space<vmem>>) target(%dma_start3A_90 : memref<128x128xf32, #tpu.memory_space<hbm>>) target_semaphore(%run_scoped3A : memref<!tpu.dma_semaphore, #tpu.memory_space<semaphore_mem>>)
      %dma_wait3A_91 = arith.constant 0 : i32
      %dma_wait3A_92 = tpu.memref_slice %arg9[%add3A_4, %dma_wait3A_91] : memref<16384x128xf32, #tpu.memory_space<hbm>> -> memref<128x128xf32, #tpu.memory_space<hbm>>
      %dma_wait3A_93 = arith.constant 0 : i32
      %dma_wait3A_94 = tpu.memref_slice %arg9[%add3A_4, %dma_wait3A_93] : memref<16384x128xf32, #tpu.memory_space<hbm>> -> memref<128x128xf32, #tpu.memory_space<hbm>>
      tpu.wait_dma2 semaphore(%run_scoped3A : memref<!tpu.dma_semaphore, #tpu.memory_space<semaphore_mem>>) src(%arg15 : memref<128x128xf32, #tpu.memory_space<vmem>>) dst(%dma_wait3A_94 : memref<128x128xf32, #tpu.memory_space<hbm>>)
      tpu.yield
    }) : () -> ()
    "tpu.region"() ({
      %run_scoped3A = tpu.sem_alloc : memref<!tpu.dma_semaphore, #tpu.memory_space<semaphore_mem>>
      %dma_start3A_87 = arith.constant 0 : i32
      %dma_start3A_88 = tpu.memref_slice %arg10[%add3A_4, %dma_start3A_87] : memref<16384x128xf32, #tpu.memory_space<hbm>> -> memref<128x128xf32, #tpu.memory_space<hbm>>
      %dma_start3A_89 = arith.constant 0 : i32
      %dma_start3A_90 = tpu.memref_slice %arg10[%add3A_4, %dma_start3A_89] : memref<16384x128xf32, #tpu.memory_space<hbm>> -> memref<128x128xf32, #tpu.memory_space<hbm>>
      tpu.enqueue_dma source(%arg16 : memref<128x128xf32, #tpu.memory_space<vmem>>) target(%dma_start3A_90 : memref<128x128xf32, #tpu.memory_space<hbm>>) target_semaphore(%run_scoped3A : memref<!tpu.dma_semaphore, #tpu.memory_space<semaphore_mem>>)
      %dma_wait3A_91 = arith.constant 0 : i32
      %dma_wait3A_92 = tpu.memref_slice %arg10[%add3A_4, %dma_wait3A_91] : memref<16384x128xf32, #tpu.memory_space<hbm>> -> memref<128x128xf32, #tpu.memory_space<hbm>>
      %dma_wait3A_93 = arith.constant 0 : i32
      %dma_wait3A_94 = tpu.memref_slice %arg10[%add3A_4, %dma_wait3A_93] : memref<16384x128xf32, #tpu.memory_space<hbm>> -> memref<128x128xf32, #tpu.memory_space<hbm>>
      tpu.wait_dma2 semaphore(%run_scoped3A : memref<!tpu.dma_semaphore, #tpu.memory_space<semaphore_mem>>) src(%arg16 : memref<128x128xf32, #tpu.memory_space<vmem>>) dst(%dma_wait3A_94 : memref<128x128xf32, #tpu.memory_space<hbm>>)
      tpu.yield
    }) : () -> ()
    %mul3A_21 = arith.constant 512 : i32
    %mul3A_22 = arith.muli %add3A, %mul3A_21 : i32
    %add3A_23 = arith.constant 128 : i32
    %add3A_24 = arith.addi %mul3A_22, %add3A_23 : i32
    "tpu.region"() ({
      %run_scoped3A = tpu.sem_alloc : memref<!tpu.dma_semaphore, #tpu.memory_space<semaphore_mem>>
      %dma_start3A_87 = tpu.memref_slice %arg2[%add3A_24] : memref<16384xi32, #tpu.memory_space<hbm>> -> memref<128xi32, #tpu.memory_space<hbm>>
      %dma_start3A_88 = tpu.memref_slice %arg2[%add3A_24] : memref<16384xi32, #tpu.memory_space<hbm>> -> memref<128xi32, #tpu.memory_space<hbm>>
      tpu.enqueue_dma source(%dma_start3A_88 : memref<128xi32, #tpu.memory_space<hbm>>) target(%arg11 : memref<128xi32, #tpu.memory_space<vmem>>) target_semaphore(%run_scoped3A : memref<!tpu.dma_semaphore, #tpu.memory_space<semaphore_mem>>)
      %dma_wait3A_89 = tpu.memref_slice %arg2[%add3A_24] : memref<16384xi32, #tpu.memory_space<hbm>> -> memref<128xi32, #tpu.memory_space<hbm>>
      %dma_wait3A_90 = tpu.memref_slice %arg2[%add3A_24] : memref<16384xi32, #tpu.memory_space<hbm>> -> memref<128xi32, #tpu.memory_space<hbm>>
      tpu.wait_dma2 semaphore(%run_scoped3A : memref<!tpu.dma_semaphore, #tpu.memory_space<semaphore_mem>>) src(%dma_wait3A_90 : memref<128xi32, #tpu.memory_space<hbm>>) dst(%arg11 : memref<128xi32, #tpu.memory_space<vmem>>)
      tpu.yield
    }) : () -> ()
    "tpu.region"() ({
      %run_scoped3A = tpu.sem_alloc : memref<!tpu.dma_semaphore, #tpu.memory_space<semaphore_mem>>
      %dma_start3A_87 = tpu.memref_slice %arg3[%add3A_24] : memref<16384xi32, #tpu.memory_space<hbm>> -> memref<128xi32, #tpu.memory_space<hbm>>
      %dma_start3A_88 = tpu.memref_slice %arg3[%add3A_24] : memref<16384xi32, #tpu.memory_space<hbm>> -> memref<128xi32, #tpu.memory_space<hbm>>
      tpu.enqueue_dma source(%dma_start3A_88 : memref<128xi32, #tpu.memory_space<hbm>>) target(%arg12 : memref<128xi32, #tpu.memory_space<vmem>>) target_semaphore(%run_scoped3A : memref<!tpu.dma_semaphore, #tpu.memory_space<semaphore_mem>>)
      %dma_wait3A_89 = tpu.memref_slice %arg3[%add3A_24] : memref<16384xi32, #tpu.memory_space<hbm>> -> memref<128xi32, #tpu.memory_space<hbm>>
      %dma_wait3A_90 = tpu.memref_slice %arg3[%add3A_24] : memref<16384xi32, #tpu.memory_space<hbm>> -> memref<128xi32, #tpu.memory_space<hbm>>
      tpu.wait_dma2 semaphore(%run_scoped3A : memref<!tpu.dma_semaphore, #tpu.memory_space<semaphore_mem>>) src(%dma_wait3A_90 : memref<128xi32, #tpu.memory_space<hbm>>) dst(%arg12 : memref<128xi32, #tpu.memory_space<vmem>>)
      tpu.yield
    }) : () -> ()
    "tpu.region"() ({
      %run_scoped3A = tpu.sem_alloc : memref<!tpu.dma_semaphore, #tpu.memory_space<semaphore_mem>>
      %dma_start3A_87 = tpu.memref_slice %arg4[%add3A_24] : memref<16384xi32, #tpu.memory_space<hbm>> -> memref<128xi32, #tpu.memory_space<hbm>>
      %dma_start3A_88 = tpu.memref_slice %arg4[%add3A_24] : memref<16384xi32, #tpu.memory_space<hbm>> -> memref<128xi32, #tpu.memory_space<hbm>>
      tpu.enqueue_dma source(%dma_start3A_88 : memref<128xi32, #tpu.memory_space<hbm>>) target(%arg13 : memref<128xi32, #tpu.memory_space<vmem>>) target_semaphore(%run_scoped3A : memref<!tpu.dma_semaphore, #tpu.memory_space<semaphore_mem>>)
      %dma_wait3A_89 = tpu.memref_slice %arg4[%add3A_24] : memref<16384xi32, #tpu.memory_space<hbm>> -> memref<128xi32, #tpu.memory_space<hbm>>
      %dma_wait3A_90 = tpu.memref_slice %arg4[%add3A_24] : memref<16384xi32, #tpu.memory_space<hbm>> -> memref<128xi32, #tpu.memory_space<hbm>>
      tpu.wait_dma2 semaphore(%run_scoped3A : memref<!tpu.dma_semaphore, #tpu.memory_space<semaphore_mem>>) src(%dma_wait3A_90 : memref<128xi32, #tpu.memory_space<hbm>>) dst(%arg13 : memref<128xi32, #tpu.memory_space<vmem>>)
      tpu.yield
    }) : () -> ()
    %dma_start3A_25 = arith.constant 0 : i32
    %dma_start3A_26 = arith.constant 0 : i32
    %dma_start3A_27 = tpu.memref_slice %arg6[%dma_start3A_25, %dma_start3A_26] : memref<500000x128xf32, #tpu.memory_space<hbm>> -> memref<500000x128xf32, #tpu.memory_space<hbm>>
    tpu.enqueue_indirect_dma source(%dma_start3A_27 : memref<500000x128xf32, #tpu.memory_space<hbm>>) target(%arg15 : memref<128x128xf32, #tpu.memory_space<vmem>>) offsets(%arg12 : memref<128xi32, #tpu.memory_space<vmem>>) semaphore(%arg18 : memref<!tpu.dma_semaphore, #tpu.memory_space<semaphore_mem>>)
    %dma_start3A_28 = arith.constant 0 : i32
    %dma_start3A_29 = arith.constant 0 : i32
    %dma_start3A_30 = tpu.memref_slice %arg5[%dma_start3A_28, %dma_start3A_29] : memref<500x128xf32, #tpu.memory_space<hbm>> -> memref<500x128xf32, #tpu.memory_space<hbm>>
    tpu.enqueue_indirect_dma source(%dma_start3A_30 : memref<500x128xf32, #tpu.memory_space<hbm>>) target(%arg14 : memref<128x128xf32, #tpu.memory_space<vmem>>) offsets(%arg11 : memref<128xi32, #tpu.memory_space<vmem>>) semaphore(%arg17 : memref<!tpu.dma_semaphore, #tpu.memory_space<semaphore_mem>>)
    %dma_start3A_31 = arith.constant 0 : i32
    %dma_start3A_32 = arith.constant 0 : i32
    %dma_start3A_33 = tpu.memref_slice %arg7[%dma_start3A_31, %dma_start3A_32] : memref<500x128xf32, #tpu.memory_space<hbm>> -> memref<500x128xf32, #tpu.memory_space<hbm>>
    tpu.enqueue_indirect_dma source(%dma_start3A_33 : memref<500x128xf32, #tpu.memory_space<hbm>>) target(%arg16 : memref<128x128xf32, #tpu.memory_space<vmem>>) offsets(%arg13 : memref<128xi32, #tpu.memory_space<vmem>>) semaphore(%arg19 : memref<!tpu.dma_semaphore, #tpu.memory_space<semaphore_mem>>)
    %dma_wait3A_34 = arith.constant 0 : i32
    %dma_wait3A_35 = arith.constant 0 : i32
    %dma_wait3A_36 = tpu.memref_slice %arg6[%dma_wait3A_34, %dma_wait3A_35] : memref<500000x128xf32, #tpu.memory_space<hbm>> -> memref<500000x128xf32, #tpu.memory_space<hbm>>
    tpu.wait_indirect_dma semaphore(%arg18 : memref<!tpu.dma_semaphore, #tpu.memory_space<semaphore_mem>>) src(%dma_wait3A_36 : memref<500000x128xf32, #tpu.memory_space<hbm>>) dst(%arg15 : memref<128x128xf32, #tpu.memory_space<vmem>>)
    %dma_wait3A_37 = arith.constant 0 : i32
    %dma_wait3A_38 = arith.constant 0 : i32
    %dma_wait3A_39 = tpu.memref_slice %arg5[%dma_wait3A_37, %dma_wait3A_38] : memref<500x128xf32, #tpu.memory_space<hbm>> -> memref<500x128xf32, #tpu.memory_space<hbm>>
    tpu.wait_indirect_dma semaphore(%arg17 : memref<!tpu.dma_semaphore, #tpu.memory_space<semaphore_mem>>) src(%dma_wait3A_39 : memref<500x128xf32, #tpu.memory_space<hbm>>) dst(%arg14 : memref<128x128xf32, #tpu.memory_space<vmem>>)
    %dma_wait3A_40 = arith.constant 0 : i32
    %dma_wait3A_41 = arith.constant 0 : i32
    %dma_wait3A_42 = tpu.memref_slice %arg7[%dma_wait3A_40, %dma_wait3A_41] : memref<500x128xf32, #tpu.memory_space<hbm>> -> memref<500x128xf32, #tpu.memory_space<hbm>>
    tpu.wait_indirect_dma semaphore(%arg19 : memref<!tpu.dma_semaphore, #tpu.memory_space<semaphore_mem>>) src(%dma_wait3A_42 : memref<500x128xf32, #tpu.memory_space<hbm>>) dst(%arg16 : memref<128x128xf32, #tpu.memory_space<vmem>>)
    "tpu.region"() ({
      %run_scoped3A = tpu.sem_alloc : memref<!tpu.dma_semaphore, #tpu.memory_space<semaphore_mem>>
      %dma_start3A_87 = arith.constant 0 : i32
      %dma_start3A_88 = tpu.memref_slice %arg8[%add3A_24, %dma_start3A_87] : memref<16384x128xf32, #tpu.memory_space<hbm>> -> memref<128x128xf32, #tpu.memory_space<hbm>>
      %dma_start3A_89 = arith.constant 0 : i32
      %dma_start3A_90 = tpu.memref_slice %arg8[%add3A_24, %dma_start3A_89] : memref<16384x128xf32, #tpu.memory_space<hbm>> -> memref<128x128xf32, #tpu.memory_space<hbm>>
      tpu.enqueue_dma source(%arg14 : memref<128x128xf32, #tpu.memory_space<vmem>>) target(%dma_start3A_90 : memref<128x128xf32, #tpu.memory_space<hbm>>) target_semaphore(%run_scoped3A : memref<!tpu.dma_semaphore, #tpu.memory_space<semaphore_mem>>)
      %dma_wait3A_91 = arith.constant 0 : i32
      %dma_wait3A_92 = tpu.memref_slice %arg8[%add3A_24, %dma_wait3A_91] : memref<16384x128xf32, #tpu.memory_space<hbm>> -> memref<128x128xf32, #tpu.memory_space<hbm>>
      %dma_wait3A_93 = arith.constant 0 : i32
      %dma_wait3A_94 = tpu.memref_slice %arg8[%add3A_24, %dma_wait3A_93] : memref<16384x128xf32, #tpu.memory_space<hbm>> -> memref<128x128xf32, #tpu.memory_space<hbm>>
      tpu.wait_dma2 semaphore(%run_scoped3A : memref<!tpu.dma_semaphore, #tpu.memory_space<semaphore_mem>>) src(%arg14 : memref<128x128xf32, #tpu.memory_space<vmem>>) dst(%dma_wait3A_94 : memref<128x128xf32, #tpu.memory_space<hbm>>)
      tpu.yield
    }) : () -> ()
    "tpu.region"() ({
      %run_scoped3A = tpu.sem_alloc : memref<!tpu.dma_semaphore, #tpu.memory_space<semaphore_mem>>
      %dma_start3A_87 = arith.constant 0 : i32
      %dma_start3A_88 = tpu.memref_slice %arg9[%add3A_24, %dma_start3A_87] : memref<16384x128xf32, #tpu.memory_space<hbm>> -> memref<128x128xf32, #tpu.memory_space<hbm>>
      %dma_start3A_89 = arith.constant 0 : i32
      %dma_start3A_90 = tpu.memref_slice %arg9[%add3A_24, %dma_start3A_89] : memref<16384x128xf32, #tpu.memory_space<hbm>> -> memref<128x128xf32, #tpu.memory_space<hbm>>
      tpu.enqueue_dma source(%arg15 : memref<128x128xf32, #tpu.memory_space<vmem>>) target(%dma_start3A_90 : memref<128x128xf32, #tpu.memory_space<hbm>>) target_semaphore(%run_scoped3A : memref<!tpu.dma_semaphore, #tpu.memory_space<semaphore_mem>>)
      %dma_wait3A_91 = arith.constant 0 : i32
      %dma_wait3A_92 = tpu.memref_slice %arg9[%add3A_24, %dma_wait3A_91] : memref<16384x128xf32, #tpu.memory_space<hbm>> -> memref<128x128xf32, #tpu.memory_space<hbm>>
      %dma_wait3A_93 = arith.constant 0 : i32
      %dma_wait3A_94 = tpu.memref_slice %arg9[%add3A_24, %dma_wait3A_93] : memref<16384x128xf32, #tpu.memory_space<hbm>> -> memref<128x128xf32, #tpu.memory_space<hbm>>
      tpu.wait_dma2 semaphore(%run_scoped3A : memref<!tpu.dma_semaphore, #tpu.memory_space<semaphore_mem>>) src(%arg15 : memref<128x128xf32, #tpu.memory_space<vmem>>) dst(%dma_wait3A_94 : memref<128x128xf32, #tpu.memory_space<hbm>>)
      tpu.yield
    }) : () -> ()
    "tpu.region"() ({
      %run_scoped3A = tpu.sem_alloc : memref<!tpu.dma_semaphore, #tpu.memory_space<semaphore_mem>>
      %dma_start3A_87 = arith.constant 0 : i32
      %dma_start3A_88 = tpu.memref_slice %arg10[%add3A_24, %dma_start3A_87] : memref<16384x128xf32, #tpu.memory_space<hbm>> -> memref<128x128xf32, #tpu.memory_space<hbm>>
      %dma_start3A_89 = arith.constant 0 : i32
      %dma_start3A_90 = tpu.memref_slice %arg10[%add3A_24, %dma_start3A_89] : memref<16384x128xf32, #tpu.memory_space<hbm>> -> memref<128x128xf32, #tpu.memory_space<hbm>>
      tpu.enqueue_dma source(%arg16 : memref<128x128xf32, #tpu.memory_space<vmem>>) target(%dma_start3A_90 : memref<128x128xf32, #tpu.memory_space<hbm>>) target_semaphore(%run_scoped3A : memref<!tpu.dma_semaphore, #tpu.memory_space<semaphore_mem>>)
      %dma_wait3A_91 = arith.constant 0 : i32
      %dma_wait3A_92 = tpu.memref_slice %arg10[%add3A_24, %dma_wait3A_91] : memref<16384x128xf32, #tpu.memory_space<hbm>> -> memref<128x128xf32, #tpu.memory_space<hbm>>
      %dma_wait3A_93 = arith.constant 0 : i32
      %dma_wait3A_94 = tpu.memref_slice %arg10[%add3A_24, %dma_wait3A_93] : memref<16384x128xf32, #tpu.memory_space<hbm>> -> memref<128x128xf32, #tpu.memory_space<hbm>>
      tpu.wait_dma2 semaphore(%run_scoped3A : memref<!tpu.dma_semaphore, #tpu.memory_space<semaphore_mem>>) src(%arg16 : memref<128x128xf32, #tpu.memory_space<vmem>>) dst(%dma_wait3A_94 : memref<128x128xf32, #tpu.memory_space<hbm>>)
      tpu.yield
    }) : () -> ()
    %mul3A_43 = arith.constant 512 : i32
    %mul3A_44 = arith.muli %add3A, %mul3A_43 : i32
    %add3A_45 = arith.constant 256 : i32
    %add3A_46 = arith.addi %mul3A_44, %add3A_45 : i32
    "tpu.region"() ({
      %run_scoped3A = tpu.sem_alloc : memref<!tpu.dma_semaphore, #tpu.memory_space<semaphore_mem>>
      %dma_start3A_87 = tpu.memref_slice %arg2[%add3A_46] : memref<16384xi32, #tpu.memory_space<hbm>> -> memref<128xi32, #tpu.memory_space<hbm>>
      %dma_start3A_88 = tpu.memref_slice %arg2[%add3A_46] : memref<16384xi32, #tpu.memory_space<hbm>> -> memref<128xi32, #tpu.memory_space<hbm>>
      tpu.enqueue_dma source(%dma_start3A_88 : memref<128xi32, #tpu.memory_space<hbm>>) target(%arg11 : memref<128xi32, #tpu.memory_space<vmem>>) target_semaphore(%run_scoped3A : memref<!tpu.dma_semaphore, #tpu.memory_space<semaphore_mem>>)
      %dma_wait3A_89 = tpu.memref_slice %arg2[%add3A_46] : memref<16384xi32, #tpu.memory_space<hbm>> -> memref<128xi32, #tpu.memory_space<hbm>>
      %dma_wait3A_90 = tpu.memref_slice %arg2[%add3A_46] : memref<16384xi32, #tpu.memory_space<hbm>> -> memref<128xi32, #tpu.memory_space<hbm>>
      tpu.wait_dma2 semaphore(%run_scoped3A : memref<!tpu.dma_semaphore, #tpu.memory_space<semaphore_mem>>) src(%dma_wait3A_90 : memref<128xi32, #tpu.memory_space<hbm>>) dst(%arg11 : memref<128xi32, #tpu.memory_space<vmem>>)
      tpu.yield
    }) : () -> ()
    "tpu.region"() ({
      %run_scoped3A = tpu.sem_alloc : memref<!tpu.dma_semaphore, #tpu.memory_space<semaphore_mem>>
      %dma_start3A_87 = tpu.memref_slice %arg3[%add3A_46] : memref<16384xi32, #tpu.memory_space<hbm>> -> memref<128xi32, #tpu.memory_space<hbm>>
      %dma_start3A_88 = tpu.memref_slice %arg3[%add3A_46] : memref<16384xi32, #tpu.memory_space<hbm>> -> memref<128xi32, #tpu.memory_space<hbm>>
      tpu.enqueue_dma source(%dma_start3A_88 : memref<128xi32, #tpu.memory_space<hbm>>) target(%arg12 : memref<128xi32, #tpu.memory_space<vmem>>) target_semaphore(%run_scoped3A : memref<!tpu.dma_semaphore, #tpu.memory_space<semaphore_mem>>)
      %dma_wait3A_89 = tpu.memref_slice %arg3[%add3A_46] : memref<16384xi32, #tpu.memory_space<hbm>> -> memref<128xi32, #tpu.memory_space<hbm>>
      %dma_wait3A_90 = tpu.memref_slice %arg3[%add3A_46] : memref<16384xi32, #tpu.memory_space<hbm>> -> memref<128xi32, #tpu.memory_space<hbm>>
      tpu.wait_dma2 semaphore(%run_scoped3A : memref<!tpu.dma_semaphore, #tpu.memory_space<semaphore_mem>>) src(%dma_wait3A_90 : memref<128xi32, #tpu.memory_space<hbm>>) dst(%arg12 : memref<128xi32, #tpu.memory_space<vmem>>)
      tpu.yield
    }) : () -> ()
    "tpu.region"() ({
      %run_scoped3A = tpu.sem_alloc : memref<!tpu.dma_semaphore, #tpu.memory_space<semaphore_mem>>
      %dma_start3A_87 = tpu.memref_slice %arg4[%add3A_46] : memref<16384xi32, #tpu.memory_space<hbm>> -> memref<128xi32, #tpu.memory_space<hbm>>
      %dma_start3A_88 = tpu.memref_slice %arg4[%add3A_46] : memref<16384xi32, #tpu.memory_space<hbm>> -> memref<128xi32, #tpu.memory_space<hbm>>
      tpu.enqueue_dma source(%dma_start3A_88 : memref<128xi32, #tpu.memory_space<hbm>>) target(%arg13 : memref<128xi32, #tpu.memory_space<vmem>>) target_semaphore(%run_scoped3A : memref<!tpu.dma_semaphore, #tpu.memory_space<semaphore_mem>>)
      %dma_wait3A_89 = tpu.memref_slice %arg4[%add3A_46] : memref<16384xi32, #tpu.memory_space<hbm>> -> memref<128xi32, #tpu.memory_space<hbm>>
      %dma_wait3A_90 = tpu.memref_slice %arg4[%add3A_46] : memref<16384xi32, #tpu.memory_space<hbm>> -> memref<128xi32, #tpu.memory_space<hbm>>
      tpu.wait_dma2 semaphore(%run_scoped3A : memref<!tpu.dma_semaphore, #tpu.memory_space<semaphore_mem>>) src(%dma_wait3A_90 : memref<128xi32, #tpu.memory_space<hbm>>) dst(%arg13 : memref<128xi32, #tpu.memory_space<vmem>>)
      tpu.yield
    }) : () -> ()
    %dma_start3A_47 = arith.constant 0 : i32
    %dma_start3A_48 = arith.constant 0 : i32
    %dma_start3A_49 = tpu.memref_slice %arg6[%dma_start3A_47, %dma_start3A_48] : memref<500000x128xf32, #tpu.memory_space<hbm>> -> memref<500000x128xf32, #tpu.memory_space<hbm>>
    tpu.enqueue_indirect_dma source(%dma_start3A_49 : memref<500000x128xf32, #tpu.memory_space<hbm>>) target(%arg15 : memref<128x128xf32, #tpu.memory_space<vmem>>) offsets(%arg12 : memref<128xi32, #tpu.memory_space<vmem>>) semaphore(%arg18 : memref<!tpu.dma_semaphore, #tpu.memory_space<semaphore_mem>>)
    %dma_start3A_50 = arith.constant 0 : i32
    %dma_start3A_51 = arith.constant 0 : i32
    %dma_start3A_52 = tpu.memref_slice %arg5[%dma_start3A_50, %dma_start3A_51] : memref<500x128xf32, #tpu.memory_space<hbm>> -> memref<500x128xf32, #tpu.memory_space<hbm>>
    tpu.enqueue_indirect_dma source(%dma_start3A_52 : memref<500x128xf32, #tpu.memory_space<hbm>>) target(%arg14 : memref<128x128xf32, #tpu.memory_space<vmem>>) offsets(%arg11 : memref<128xi32, #tpu.memory_space<vmem>>) semaphore(%arg17 : memref<!tpu.dma_semaphore, #tpu.memory_space<semaphore_mem>>)
    %dma_start3A_53 = arith.constant 0 : i32
    %dma_start3A_54 = arith.constant 0 : i32
    %dma_start3A_55 = tpu.memref_slice %arg7[%dma_start3A_53, %dma_start3A_54] : memref<500x128xf32, #tpu.memory_space<hbm>> -> memref<500x128xf32, #tpu.memory_space<hbm>>
    tpu.enqueue_indirect_dma source(%dma_start3A_55 : memref<500x128xf32, #tpu.memory_space<hbm>>) target(%arg16 : memref<128x128xf32, #tpu.memory_space<vmem>>) offsets(%arg13 : memref<128xi32, #tpu.memory_space<vmem>>) semaphore(%arg19 : memref<!tpu.dma_semaphore, #tpu.memory_space<semaphore_mem>>)
    %dma_wait3A_56 = arith.constant 0 : i32
    %dma_wait3A_57 = arith.constant 0 : i32
    %dma_wait3A_58 = tpu.memref_slice %arg6[%dma_wait3A_56, %dma_wait3A_57] : memref<500000x128xf32, #tpu.memory_space<hbm>> -> memref<500000x128xf32, #tpu.memory_space<hbm>>
    tpu.wait_indirect_dma semaphore(%arg18 : memref<!tpu.dma_semaphore, #tpu.memory_space<semaphore_mem>>) src(%dma_wait3A_58 : memref<500000x128xf32, #tpu.memory_space<hbm>>) dst(%arg15 : memref<128x128xf32, #tpu.memory_space<vmem>>)
    %dma_wait3A_59 = arith.constant 0 : i32
    %dma_wait3A_60 = arith.constant 0 : i32
    %dma_wait3A_61 = tpu.memref_slice %arg5[%dma_wait3A_59, %dma_wait3A_60] : memref<500x128xf32, #tpu.memory_space<hbm>> -> memref<500x128xf32, #tpu.memory_space<hbm>>
    tpu.wait_indirect_dma semaphore(%arg17 : memref<!tpu.dma_semaphore, #tpu.memory_space<semaphore_mem>>) src(%dma_wait3A_61 : memref<500x128xf32, #tpu.memory_space<hbm>>) dst(%arg14 : memref<128x128xf32, #tpu.memory_space<vmem>>)
    %dma_wait3A_62 = arith.constant 0 : i32
    %dma_wait3A_63 = arith.constant 0 : i32
    %dma_wait3A_64 = tpu.memref_slice %arg7[%dma_wait3A_62, %dma_wait3A_63] : memref<500x128xf32, #tpu.memory_space<hbm>> -> memref<500x128xf32, #tpu.memory_space<hbm>>
    tpu.wait_indirect_dma semaphore(%arg19 : memref<!tpu.dma_semaphore, #tpu.memory_space<semaphore_mem>>) src(%dma_wait3A_64 : memref<500x128xf32, #tpu.memory_space<hbm>>) dst(%arg16 : memref<128x128xf32, #tpu.memory_space<vmem>>)
    "tpu.region"() ({
      %run_scoped3A = tpu.sem_alloc : memref<!tpu.dma_semaphore, #tpu.memory_space<semaphore_mem>>
      %dma_start3A_87 = arith.constant 0 : i32
      %dma_start3A_88 = tpu.memref_slice %arg8[%add3A_46, %dma_start3A_87] : memref<16384x128xf32, #tpu.memory_space<hbm>> -> memref<128x128xf32, #tpu.memory_space<hbm>>
      %dma_start3A_89 = arith.constant 0 : i32
      %dma_start3A_90 = tpu.memref_slice %arg8[%add3A_46, %dma_start3A_89] : memref<16384x128xf32, #tpu.memory_space<hbm>> -> memref<128x128xf32, #tpu.memory_space<hbm>>
      tpu.enqueue_dma source(%arg14 : memref<128x128xf32, #tpu.memory_space<vmem>>) target(%dma_start3A_90 : memref<128x128xf32, #tpu.memory_space<hbm>>) target_semaphore(%run_scoped3A : memref<!tpu.dma_semaphore, #tpu.memory_space<semaphore_mem>>)
      %dma_wait3A_91 = arith.constant 0 : i32
      %dma_wait3A_92 = tpu.memref_slice %arg8[%add3A_46, %dma_wait3A_91] : memref<16384x128xf32, #tpu.memory_space<hbm>> -> memref<128x128xf32, #tpu.memory_space<hbm>>
      %dma_wait3A_93 = arith.constant 0 : i32
      %dma_wait3A_94 = tpu.memref_slice %arg8[%add3A_46, %dma_wait3A_93] : memref<16384x128xf32, #tpu.memory_space<hbm>> -> memref<128x128xf32, #tpu.memory_space<hbm>>
      tpu.wait_dma2 semaphore(%run_scoped3A : memref<!tpu.dma_semaphore, #tpu.memory_space<semaphore_mem>>) src(%arg14 : memref<128x128xf32, #tpu.memory_space<vmem>>) dst(%dma_wait3A_94 : memref<128x128xf32, #tpu.memory_space<hbm>>)
      tpu.yield
    }) : () -> ()
    "tpu.region"() ({
      %run_scoped3A = tpu.sem_alloc : memref<!tpu.dma_semaphore, #tpu.memory_space<semaphore_mem>>
      %dma_start3A_87 = arith.constant 0 : i32
      %dma_start3A_88 = tpu.memref_slice %arg9[%add3A_46, %dma_start3A_87] : memref<16384x128xf32, #tpu.memory_space<hbm>> -> memref<128x128xf32, #tpu.memory_space<hbm>>
      %dma_start3A_89 = arith.constant 0 : i32
      %dma_start3A_90 = tpu.memref_slice %arg9[%add3A_46, %dma_start3A_89] : memref<16384x128xf32, #tpu.memory_space<hbm>> -> memref<128x128xf32, #tpu.memory_space<hbm>>
      tpu.enqueue_dma source(%arg15 : memref<128x128xf32, #tpu.memory_space<vmem>>) target(%dma_start3A_90 : memref<128x128xf32, #tpu.memory_space<hbm>>) target_semaphore(%run_scoped3A : memref<!tpu.dma_semaphore, #tpu.memory_space<semaphore_mem>>)
      %dma_wait3A_91 = arith.constant 0 : i32
      %dma_wait3A_92 = tpu.memref_slice %arg9[%add3A_46, %dma_wait3A_91] : memref<16384x128xf32, #tpu.memory_space<hbm>> -> memref<128x128xf32, #tpu.memory_space<hbm>>
      %dma_wait3A_93 = arith.constant 0 : i32
      %dma_wait3A_94 = tpu.memref_slice %arg9[%add3A_46, %dma_wait3A_93] : memref<16384x128xf32, #tpu.memory_space<hbm>> -> memref<128x128xf32, #tpu.memory_space<hbm>>
      tpu.wait_dma2 semaphore(%run_scoped3A : memref<!tpu.dma_semaphore, #tpu.memory_space<semaphore_mem>>) src(%arg15 : memref<128x128xf32, #tpu.memory_space<vmem>>) dst(%dma_wait3A_94 : memref<128x128xf32, #tpu.memory_space<hbm>>)
      tpu.yield
    }) : () -> ()
    "tpu.region"() ({
      %run_scoped3A = tpu.sem_alloc : memref<!tpu.dma_semaphore, #tpu.memory_space<semaphore_mem>>
      %dma_start3A_87 = arith.constant 0 : i32
      %dma_start3A_88 = tpu.memref_slice %arg10[%add3A_46, %dma_start3A_87] : memref<16384x128xf32, #tpu.memory_space<hbm>> -> memref<128x128xf32, #tpu.memory_space<hbm>>
      %dma_start3A_89 = arith.constant 0 : i32
      %dma_start3A_90 = tpu.memref_slice %arg10[%add3A_46, %dma_start3A_89] : memref<16384x128xf32, #tpu.memory_space<hbm>> -> memref<128x128xf32, #tpu.memory_space<hbm>>
      tpu.enqueue_dma source(%arg16 : memref<128x128xf32, #tpu.memory_space<vmem>>) target(%dma_start3A_90 : memref<128x128xf32, #tpu.memory_space<hbm>>) target_semaphore(%run_scoped3A : memref<!tpu.dma_semaphore, #tpu.memory_space<semaphore_mem>>)
      %dma_wait3A_91 = arith.constant 0 : i32
      %dma_wait3A_92 = tpu.memref_slice %arg10[%add3A_46, %dma_wait3A_91] : memref<16384x128xf32, #tpu.memory_space<hbm>> -> memref<128x128xf32, #tpu.memory_space<hbm>>
      %dma_wait3A_93 = arith.constant 0 : i32
      %dma_wait3A_94 = tpu.memref_slice %arg10[%add3A_46, %dma_wait3A_93] : memref<16384x128xf32, #tpu.memory_space<hbm>> -> memref<128x128xf32, #tpu.memory_space<hbm>>
      tpu.wait_dma2 semaphore(%run_scoped3A : memref<!tpu.dma_semaphore, #tpu.memory_space<semaphore_mem>>) src(%arg16 : memref<128x128xf32, #tpu.memory_space<vmem>>) dst(%dma_wait3A_94 : memref<128x128xf32, #tpu.memory_space<hbm>>)
      tpu.yield
    }) : () -> ()
    %mul3A_65 = arith.constant 512 : i32
    %mul3A_66 = arith.muli %add3A, %mul3A_65 : i32
    %add3A_67 = arith.constant 384 : i32
    %add3A_68 = arith.addi %mul3A_66, %add3A_67 : i32
    "tpu.region"() ({
      %run_scoped3A = tpu.sem_alloc : memref<!tpu.dma_semaphore, #tpu.memory_space<semaphore_mem>>
      %dma_start3A_87 = tpu.memref_slice %arg2[%add3A_68] : memref<16384xi32, #tpu.memory_space<hbm>> -> memref<128xi32, #tpu.memory_space<hbm>>
      %dma_start3A_88 = tpu.memref_slice %arg2[%add3A_68] : memref<16384xi32, #tpu.memory_space<hbm>> -> memref<128xi32, #tpu.memory_space<hbm>>
      tpu.enqueue_dma source(%dma_start3A_88 : memref<128xi32, #tpu.memory_space<hbm>>) target(%arg11 : memref<128xi32, #tpu.memory_space<vmem>>) target_semaphore(%run_scoped3A : memref<!tpu.dma_semaphore, #tpu.memory_space<semaphore_mem>>)
      %dma_wait3A_89 = tpu.memref_slice %arg2[%add3A_68] : memref<16384xi32, #tpu.memory_space<hbm>> -> memref<128xi32, #tpu.memory_space<hbm>>
      %dma_wait3A_90 = tpu.memref_slice %arg2[%add3A_68] : memref<16384xi32, #tpu.memory_space<hbm>> -> memref<128xi32, #tpu.memory_space<hbm>>
      tpu.wait_dma2 semaphore(%run_scoped3A : memref<!tpu.dma_semaphore, #tpu.memory_space<semaphore_mem>>) src(%dma_wait3A_90 : memref<128xi32, #tpu.memory_space<hbm>>) dst(%arg11 : memref<128xi32, #tpu.memory_space<vmem>>)
      tpu.yield
    }) : () -> ()
    "tpu.region"() ({
      %run_scoped3A = tpu.sem_alloc : memref<!tpu.dma_semaphore, #tpu.memory_space<semaphore_mem>>
      %dma_start3A_87 = tpu.memref_slice %arg3[%add3A_68] : memref<16384xi32, #tpu.memory_space<hbm>> -> memref<128xi32, #tpu.memory_space<hbm>>
      %dma_start3A_88 = tpu.memref_slice %arg3[%add3A_68] : memref<16384xi32, #tpu.memory_space<hbm>> -> memref<128xi32, #tpu.memory_space<hbm>>
      tpu.enqueue_dma source(%dma_start3A_88 : memref<128xi32, #tpu.memory_space<hbm>>) target(%arg12 : memref<128xi32, #tpu.memory_space<vmem>>) target_semaphore(%run_scoped3A : memref<!tpu.dma_semaphore, #tpu.memory_space<semaphore_mem>>)
      %dma_wait3A_89 = tpu.memref_slice %arg3[%add3A_68] : memref<16384xi32, #tpu.memory_space<hbm>> -> memref<128xi32, #tpu.memory_space<hbm>>
      %dma_wait3A_90 = tpu.memref_slice %arg3[%add3A_68] : memref<16384xi32, #tpu.memory_space<hbm>> -> memref<128xi32, #tpu.memory_space<hbm>>
      tpu.wait_dma2 semaphore(%run_scoped3A : memref<!tpu.dma_semaphore, #tpu.memory_space<semaphore_mem>>) src(%dma_wait3A_90 : memref<128xi32, #tpu.memory_space<hbm>>) dst(%arg12 : memref<128xi32, #tpu.memory_space<vmem>>)
      tpu.yield
    }) : () -> ()
    "tpu.region"() ({
      %run_scoped3A = tpu.sem_alloc : memref<!tpu.dma_semaphore, #tpu.memory_space<semaphore_mem>>
      %dma_start3A_87 = tpu.memref_slice %arg4[%add3A_68] : memref<16384xi32, #tpu.memory_space<hbm>> -> memref<128xi32, #tpu.memory_space<hbm>>
      %dma_start3A_88 = tpu.memref_slice %arg4[%add3A_68] : memref<16384xi32, #tpu.memory_space<hbm>> -> memref<128xi32, #tpu.memory_space<hbm>>
      tpu.enqueue_dma source(%dma_start3A_88 : memref<128xi32, #tpu.memory_space<hbm>>) target(%arg13 : memref<128xi32, #tpu.memory_space<vmem>>) target_semaphore(%run_scoped3A : memref<!tpu.dma_semaphore, #tpu.memory_space<semaphore_mem>>)
      %dma_wait3A_89 = tpu.memref_slice %arg4[%add3A_68] : memref<16384xi32, #tpu.memory_space<hbm>> -> memref<128xi32, #tpu.memory_space<hbm>>
      %dma_wait3A_90 = tpu.memref_slice %arg4[%add3A_68] : memref<16384xi32, #tpu.memory_space<hbm>> -> memref<128xi32, #tpu.memory_space<hbm>>
      tpu.wait_dma2 semaphore(%run_scoped3A : memref<!tpu.dma_semaphore, #tpu.memory_space<semaphore_mem>>) src(%dma_wait3A_90 : memref<128xi32, #tpu.memory_space<hbm>>) dst(%arg13 : memref<128xi32, #tpu.memory_space<vmem>>)
      tpu.yield
    }) : () -> ()
    %dma_start3A_69 = arith.constant 0 : i32
    %dma_start3A_70 = arith.constant 0 : i32
    %dma_start3A_71 = tpu.memref_slice %arg6[%dma_start3A_69, %dma_start3A_70] : memref<500000x128xf32, #tpu.memory_space<hbm>> -> memref<500000x128xf32, #tpu.memory_space<hbm>>
    tpu.enqueue_indirect_dma source(%dma_start3A_71 : memref<500000x128xf32, #tpu.memory_space<hbm>>) target(%arg15 : memref<128x128xf32, #tpu.memory_space<vmem>>) offsets(%arg12 : memref<128xi32, #tpu.memory_space<vmem>>) semaphore(%arg18 : memref<!tpu.dma_semaphore, #tpu.memory_space<semaphore_mem>>)
    %dma_start3A_72 = arith.constant 0 : i32
    %dma_start3A_73 = arith.constant 0 : i32
    %dma_start3A_74 = tpu.memref_slice %arg5[%dma_start3A_72, %dma_start3A_73] : memref<500x128xf32, #tpu.memory_space<hbm>> -> memref<500x128xf32, #tpu.memory_space<hbm>>
    tpu.enqueue_indirect_dma source(%dma_start3A_74 : memref<500x128xf32, #tpu.memory_space<hbm>>) target(%arg14 : memref<128x128xf32, #tpu.memory_space<vmem>>) offsets(%arg11 : memref<128xi32, #tpu.memory_space<vmem>>) semaphore(%arg17 : memref<!tpu.dma_semaphore, #tpu.memory_space<semaphore_mem>>)
    %dma_start3A_75 = arith.constant 0 : i32
    %dma_start3A_76 = arith.constant 0 : i32
    %dma_start3A_77 = tpu.memref_slice %arg7[%dma_start3A_75, %dma_start3A_76] : memref<500x128xf32, #tpu.memory_space<hbm>> -> memref<500x128xf32, #tpu.memory_space<hbm>>
    tpu.enqueue_indirect_dma source(%dma_start3A_77 : memref<500x128xf32, #tpu.memory_space<hbm>>) target(%arg16 : memref<128x128xf32, #tpu.memory_space<vmem>>) offsets(%arg13 : memref<128xi32, #tpu.memory_space<vmem>>) semaphore(%arg19 : memref<!tpu.dma_semaphore, #tpu.memory_space<semaphore_mem>>)
    %dma_wait3A_78 = arith.constant 0 : i32
    %dma_wait3A_79 = arith.constant 0 : i32
    %dma_wait3A_80 = tpu.memref_slice %arg6[%dma_wait3A_78, %dma_wait3A_79] : memref<500000x128xf32, #tpu.memory_space<hbm>> -> memref<500000x128xf32, #tpu.memory_space<hbm>>
    tpu.wait_indirect_dma semaphore(%arg18 : memref<!tpu.dma_semaphore, #tpu.memory_space<semaphore_mem>>) src(%dma_wait3A_80 : memref<500000x128xf32, #tpu.memory_space<hbm>>) dst(%arg15 : memref<128x128xf32, #tpu.memory_space<vmem>>)
    %dma_wait3A_81 = arith.constant 0 : i32
    %dma_wait3A_82 = arith.constant 0 : i32
    %dma_wait3A_83 = tpu.memref_slice %arg5[%dma_wait3A_81, %dma_wait3A_82] : memref<500x128xf32, #tpu.memory_space<hbm>> -> memref<500x128xf32, #tpu.memory_space<hbm>>
    tpu.wait_indirect_dma semaphore(%arg17 : memref<!tpu.dma_semaphore, #tpu.memory_space<semaphore_mem>>) src(%dma_wait3A_83 : memref<500x128xf32, #tpu.memory_space<hbm>>) dst(%arg14 : memref<128x128xf32, #tpu.memory_space<vmem>>)
    %dma_wait3A_84 = arith.constant 0 : i32
    %dma_wait3A_85 = arith.constant 0 : i32
    %dma_wait3A_86 = tpu.memref_slice %arg7[%dma_wait3A_84, %dma_wait3A_85] : memref<500x128xf32, #tpu.memory_space<hbm>> -> memref<500x128xf32, #tpu.memory_space<hbm>>
    tpu.wait_indirect_dma semaphore(%arg19 : memref<!tpu.dma_semaphore, #tpu.memory_space<semaphore_mem>>) src(%dma_wait3A_86 : memref<500x128xf32, #tpu.memory_space<hbm>>) dst(%arg16 : memref<128x128xf32, #tpu.memory_space<vmem>>)
    "tpu.region"() ({
      %run_scoped3A = tpu.sem_alloc : memref<!tpu.dma_semaphore, #tpu.memory_space<semaphore_mem>>
      %dma_start3A_87 = arith.constant 0 : i32
      %dma_start3A_88 = tpu.memref_slice %arg8[%add3A_68, %dma_start3A_87] : memref<16384x128xf32, #tpu.memory_space<hbm>> -> memref<128x128xf32, #tpu.memory_space<hbm>>
      %dma_start3A_89 = arith.constant 0 : i32
      %dma_start3A_90 = tpu.memref_slice %arg8[%add3A_68, %dma_start3A_89] : memref<16384x128xf32, #tpu.memory_space<hbm>> -> memref<128x128xf32, #tpu.memory_space<hbm>>
      tpu.enqueue_dma source(%arg14 : memref<128x128xf32, #tpu.memory_space<vmem>>) target(%dma_start3A_90 : memref<128x128xf32, #tpu.memory_space<hbm>>) target_semaphore(%run_scoped3A : memref<!tpu.dma_semaphore, #tpu.memory_space<semaphore_mem>>)
      %dma_wait3A_91 = arith.constant 0 : i32
      %dma_wait3A_92 = tpu.memref_slice %arg8[%add3A_68, %dma_wait3A_91] : memref<16384x128xf32, #tpu.memory_space<hbm>> -> memref<128x128xf32, #tpu.memory_space<hbm>>
      %dma_wait3A_93 = arith.constant 0 : i32
      %dma_wait3A_94 = tpu.memref_slice %arg8[%add3A_68, %dma_wait3A_93] : memref<16384x128xf32, #tpu.memory_space<hbm>> -> memref<128x128xf32, #tpu.memory_space<hbm>>
      tpu.wait_dma2 semaphore(%run_scoped3A : memref<!tpu.dma_semaphore, #tpu.memory_space<semaphore_mem>>) src(%arg14 : memref<128x128xf32, #tpu.memory_space<vmem>>) dst(%dma_wait3A_94 : memref<128x128xf32, #tpu.memory_space<hbm>>)
      tpu.yield
    }) : () -> ()
    "tpu.region"() ({
      %run_scoped3A = tpu.sem_alloc : memref<!tpu.dma_semaphore, #tpu.memory_space<semaphore_mem>>
      %dma_start3A_87 = arith.constant 0 : i32
      %dma_start3A_88 = tpu.memref_slice %arg9[%add3A_68, %dma_start3A_87] : memref<16384x128xf32, #tpu.memory_space<hbm>> -> memref<128x128xf32, #tpu.memory_space<hbm>>
      %dma_start3A_89 = arith.constant 0 : i32
      %dma_start3A_90 = tpu.memref_slice %arg9[%add3A_68, %dma_start3A_89] : memref<16384x128xf32, #tpu.memory_space<hbm>> -> memref<128x128xf32, #tpu.memory_space<hbm>>
      tpu.enqueue_dma source(%arg15 : memref<128x128xf32, #tpu.memory_space<vmem>>) target(%dma_start3A_90 : memref<128x128xf32, #tpu.memory_space<hbm>>) target_semaphore(%run_scoped3A : memref<!tpu.dma_semaphore, #tpu.memory_space<semaphore_mem>>)
      %dma_wait3A_91 = arith.constant 0 : i32
      %dma_wait3A_92 = tpu.memref_slice %arg9[%add3A_68, %dma_wait3A_91] : memref<16384x128xf32, #tpu.memory_space<hbm>> -> memref<128x128xf32, #tpu.memory_space<hbm>>
      %dma_wait3A_93 = arith.constant 0 : i32
      %dma_wait3A_94 = tpu.memref_slice %arg9[%add3A_68, %dma_wait3A_93] : memref<16384x128xf32, #tpu.memory_space<hbm>> -> memref<128x128xf32, #tpu.memory_space<hbm>>
      tpu.wait_dma2 semaphore(%run_scoped3A : memref<!tpu.dma_semaphore, #tpu.memory_space<semaphore_mem>>) src(%arg15 : memref<128x128xf32, #tpu.memory_space<vmem>>) dst(%dma_wait3A_94 : memref<128x128xf32, #tpu.memory_space<hbm>>)
      tpu.yield
    }) : () -> ()
    "tpu.region"() ({
      %run_scoped3A = tpu.sem_alloc : memref<!tpu.dma_semaphore, #tpu.memory_space<semaphore_mem>>
      %dma_start3A_87 = arith.constant 0 : i32
      %dma_start3A_88 = tpu.memref_slice %arg10[%add3A_68, %dma_start3A_87] : memref<16384x128xf32, #tpu.memory_space<hbm>> -> memref<128x128xf32, #tpu.memory_space<hbm>>
      %dma_start3A_89 = arith.constant 0 : i32
      %dma_start3A_90 = tpu.memref_slice %arg10[%add3A_68, %dma_start3A_89] : memref<16384x128xf32, #tpu.memory_space<hbm>> -> memref<128x128xf32, #tpu.memory_space<hbm>>
      tpu.enqueue_dma source(%arg16 : memref<128x128xf32, #tpu.memory_space<vmem>>) target(%dma_start3A_90 : memref<128x128xf32, #tpu.memory_space<hbm>>) target_semaphore(%run_scoped3A : memref<!tpu.dma_semaphore, #tpu.memory_space<semaphore_mem>>)
      %dma_wait3A_91 = arith.constant 0 : i32
      %dma_wait3A_92 = tpu.memref_slice %arg10[%add3A_68, %dma_wait3A_91] : memref<16384x128xf32, #tpu.memory_space<hbm>> -> memref<128x128xf32, #tpu.memory_space<hbm>>
      %dma_wait3A_93 = arith.constant 0 : i32
      %dma_wait3A_94 = tpu.memref_slice %arg10[%add3A_68, %dma_wait3A_93] : memref<16384x128xf32, #tpu.memory_space<hbm>> -> memref<128x128xf32, #tpu.memory_space<hbm>>
      tpu.wait_dma2 semaphore(%run_scoped3A : memref<!tpu.dma_semaphore, #tpu.memory_space<semaphore_mem>>) src(%arg16 : memref<128x128xf32, #tpu.memory_space<vmem>>) dst(%dma_wait3A_94 : memref<128x128xf32, #tpu.memory_space<hbm>>)
      tpu.yield
    }) : () -> ()
    return
  }
}

module attributes {stable_mosaic.version = 14 : i64} {
  func.func @_finish_body(%arg0: i32, %arg1: memref<512x128xf32, #tpu.memory_space<vmem>>, %arg2: memref<512x128xf32, #tpu.memory_space<vmem>>, %arg3: memref<512x128xf32, #tpu.memory_space<vmem>>, %arg4: memref<512x1xf32, #tpu.memory_space<vmem>>, %arg5: memref<512x1xf32, #tpu.memory_space<vmem>>, %arg6: memref<512x1xf32, #tpu.memory_space<vmem>>, %arg7: memref<512x40xf32, #tpu.memory_space<vmem>>, %arg8: memref<2x64xf32, #tpu.memory_space<vmem>>, %arg9: memref<1x64xf32, #tpu.memory_space<vmem>>, %arg10: memref<512x256xf32, #tpu.memory_space<vmem>>) attributes {dimension_semantics = [#tpu.dimension_semantics<arbitrary>], iteration_bounds = array<i64: 32>, scalar_prefetch = 0 : i64, scratch_operands = 0 : i64, tpu.core_type = #tpu.core_type<tc>, window_params = [{transform_indices = @transform_0, window_bounds = array<i64: 512, 128>}, {transform_indices = @transform_1, window_bounds = array<i64: 512, 128>}, {transform_indices = @transform_2, window_bounds = array<i64: 512, 128>}, {transform_indices = @transform_3, window_bounds = array<i64: 512, 1>}, {transform_indices = @transform_4, window_bounds = array<i64: 512, 1>}, {transform_indices = @transform_5, window_bounds = array<i64: 512, 1>}, {transform_indices = @transform_6, window_bounds = array<i64: 512, 40>}, {pipeline_mode = #tpu.pipeline_mode<synchronous>, transform_indices = @transform_7, window_bounds = array<i64: 2, 64>}, {pipeline_mode = #tpu.pipeline_mode<synchronous>, transform_indices = @transform_8, window_bounds = array<i64: 1, 64>}, {transform_indices = @transform_9, window_bounds = array<i64: 512, 256>}]} {
    %get3A = arith.constant 0 : index
    %get3A_0 = arith.constant 0 : index
    %get3A_1 = vector.load %arg1[%get3A, %get3A_0] : memref<512x128xf32, #tpu.memory_space<vmem>>, vector<512x128xf32>
    %get3A_2 = arith.constant 0 : index
    %get3A_3 = arith.constant 0 : index
    %get3A_4 = vector.load %arg2[%get3A_2, %get3A_3] : memref<512x128xf32, #tpu.memory_space<vmem>>, vector<512x128xf32>
    %get3A_5 = arith.constant 0 : index
    %get3A_6 = arith.constant 0 : index
    %get3A_7 = vector.load %arg3[%get3A_5, %get3A_6] : memref<512x128xf32, #tpu.memory_space<vmem>>, vector<512x128xf32>
    %get3A_8 = arith.constant 0 : index
    %get3A_9 = arith.constant 0 : index
    %get3A_10 = vector.load %arg4[%get3A_8, %get3A_9] : memref<512x1xf32, #tpu.memory_space<vmem>>, vector<512x1xf32>
    %gt3A = arith.constant 5.000000e-01 : f32
    %gt3A_11 = vector.broadcast %gt3A : f32 to vector<512x1xf32>
    %gt3A_12 = arith.cmpf ogt, %get3A_10, %gt3A_11 : vector<512x1xf32>
    %slice3A = vector.extract_strided_slice %get3A_1 {offsets = [0, 64], sizes = [512, 64], strides = [1, 1]} : vector<512x128xf32> to vector<512x64xf32>
    %slice3A_13 = vector.extract_strided_slice %get3A_1 {offsets = [0, 0], sizes = [512, 64], strides = [1, 1]} : vector<512x128xf32> to vector<512x64xf32>
    %broadcast_in_dim3A = vector.shape_cast %gt3A_12 : vector<512x1xi1> to vector<512x1xi1>
    %broadcast_in_dim3A_14 = vector.broadcast %broadcast_in_dim3A : vector<512x1xi1> to vector<512x64xi1>
    %select_n3A = arith.select %broadcast_in_dim3A_14, %slice3A, %slice3A_13 : vector<512x64xi1>, vector<512x64xf32>
    %swap3A = arith.constant 0 : index
    %swap3A_15 = arith.constant 0 : index
    %swap3A_16 = vector.load %arg10[%swap3A, %swap3A_15] : memref<512x256xf32, #tpu.memory_space<vmem>>, vector<512x64xf32>
    tpu.vector_store %arg10[%swap3A, %swap3A_15], %select_n3A {strides = array<i32>} : memref<512x256xf32, #tpu.memory_space<vmem>>, vector<512x64xf32>,
    %get3A_17 = arith.constant 0 : index
    %get3A_18 = arith.constant 0 : index
    %get3A_19 = vector.load %arg5[%get3A_17, %get3A_18] : memref<512x1xf32, #tpu.memory_space<vmem>>, vector<512x1xf32>
    %gt3A_20 = arith.constant 5.000000e-01 : f32
    %gt3A_21 = vector.broadcast %gt3A_20 : f32 to vector<512x1xf32>
    %gt3A_22 = arith.cmpf ogt, %get3A_19, %gt3A_21 : vector<512x1xf32>
    %slice3A_23 = vector.extract_strided_slice %get3A_4 {offsets = [0, 64], sizes = [512, 64], strides = [1, 1]} : vector<512x128xf32> to vector<512x64xf32>
    %slice3A_24 = vector.extract_strided_slice %get3A_4 {offsets = [0, 0], sizes = [512, 64], strides = [1, 1]} : vector<512x128xf32> to vector<512x64xf32>
    %broadcast_in_dim3A_25 = vector.shape_cast %gt3A_22 : vector<512x1xi1> to vector<512x1xi1>
    %broadcast_in_dim3A_26 = vector.broadcast %broadcast_in_dim3A_25 : vector<512x1xi1> to vector<512x64xi1>
    %select_n3A_27 = arith.select %broadcast_in_dim3A_26, %slice3A_23, %slice3A_24 : vector<512x64xi1>, vector<512x64xf32>
    %swap3A_28 = arith.constant 0 : index
    %swap3A_29 = arith.constant 64 : index
    %swap3A_30 = vector.load %arg10[%swap3A_28, %swap3A_29] : memref<512x256xf32, #tpu.memory_space<vmem>>, vector<512x64xf32>
    tpu.vector_store %arg10[%swap3A_28, %swap3A_29], %select_n3A_27 {strides = array<i32>} : memref<512x256xf32, #tpu.memory_space<vmem>>, vector<512x64xf32>,
    %get3A_31 = arith.constant 0 : index
    %get3A_32 = arith.constant 0 : index
    %get3A_33 = vector.load %arg6[%get3A_31, %get3A_32] : memref<512x1xf32, #tpu.memory_space<vmem>>, vector<512x1xf32>
    %gt3A_34 = arith.constant 5.000000e-01 : f32
    %gt3A_35 = vector.broadcast %gt3A_34 : f32 to vector<512x1xf32>
    %gt3A_36 = arith.cmpf ogt, %get3A_33, %gt3A_35 : vector<512x1xf32>
    %slice3A_37 = vector.extract_strided_slice %get3A_7 {offsets = [0, 64], sizes = [512, 64], strides = [1, 1]} : vector<512x128xf32> to vector<512x64xf32>
    %slice3A_38 = vector.extract_strided_slice %get3A_7 {offsets = [0, 0], sizes = [512, 64], strides = [1, 1]} : vector<512x128xf32> to vector<512x64xf32>
    %broadcast_in_dim3A_39 = vector.shape_cast %gt3A_36 : vector<512x1xi1> to vector<512x1xi1>
    %broadcast_in_dim3A_40 = vector.broadcast %broadcast_in_dim3A_39 : vector<512x1xi1> to vector<512x64xi1>
    %select_n3A_41 = arith.select %broadcast_in_dim3A_40, %slice3A_37, %slice3A_38 : vector<512x64xi1>, vector<512x64xf32>
    %swap3A_42 = arith.constant 0 : index
    %swap3A_43 = arith.constant 128 : index
    %swap3A_44 = vector.load %arg10[%swap3A_42, %swap3A_43] : memref<512x256xf32, #tpu.memory_space<vmem>>, vector<512x64xf32>
    tpu.vector_store %arg10[%swap3A_42, %swap3A_43], %select_n3A_41 {strides = array<i32>} : memref<512x256xf32, #tpu.memory_space<vmem>>, vector<512x64xf32>,
    %get3A_45 = arith.constant 0 : index
    %get3A_46 = arith.constant 0 : index
    %get3A_47 = vector.load %arg7[%get3A_45, %get3A_46] : memref<512x40xf32, #tpu.memory_space<vmem>>, vector<512x40xf32>
    %get3A_48 = arith.constant 0 : index
    %get3A_49 = arith.constant 0 : index
    %get3A_50 = vector.load %arg8[%get3A_48, %get3A_49] : memref<2x64xf32, #tpu.memory_space<vmem>>, vector<1x64xf32>
    %get3A_51 = arith.constant 1 : index
    %get3A_52 = arith.constant 0 : index
    %get3A_53 = vector.load %arg8[%get3A_51, %get3A_52] : memref<2x64xf32, #tpu.memory_space<vmem>>, vector<1x64xf32>
    %slice3A_54 = vector.extract_strided_slice %get3A_47 {offsets = [0, 0], sizes = [512, 1], strides = [1, 1]} : vector<512x40xf32> to vector<512x1xf32>
    %slice3A_55 = vector.extract_strided_slice %get3A_47 {offsets = [0, 1], sizes = [512, 1], strides = [1, 1]} : vector<512x40xf32> to vector<512x1xf32>
    %mul3A = vector.broadcast %slice3A_54 : vector<512x1xf32> to vector<512x64xf32>
    %mul3A_56 = vector.broadcast %get3A_50 : vector<1x64xf32> to vector<512x64xf32>
    %mul3A_57 = arith.mulf %mul3A, %mul3A_56 : vector<512x64xf32>
    %mul3A_58 = vector.broadcast %slice3A_55 : vector<512x1xf32> to vector<512x64xf32>
    %mul3A_59 = vector.broadcast %get3A_53 : vector<1x64xf32> to vector<512x64xf32>
    %mul3A_60 = arith.mulf %mul3A_58, %mul3A_59 : vector<512x64xf32>
    %add3A = arith.addf %mul3A_57, %mul3A_60 : vector<512x64xf32>
    %slice3A_61 = vector.extract_strided_slice %get3A_47 {offsets = [0, 2], sizes = [512, 1], strides = [1, 1]} : vector<512x40xf32> to vector<512x1xf32>
    %slice3A_62 = vector.extract_strided_slice %get3A_47 {offsets = [0, 3], sizes = [512, 1], strides = [1, 1]} : vector<512x40xf32> to vector<512x1xf32>
    %mul3A_63 = vector.broadcast %slice3A_61 : vector<512x1xf32> to vector<512x64xf32>
    %mul3A_64 = vector.broadcast %get3A_50 : vector<1x64xf32> to vector<512x64xf32>
    %mul3A_65 = arith.mulf %mul3A_63, %mul3A_64 : vector<512x64xf32>
    %mul3A_66 = vector.broadcast %slice3A_62 : vector<512x1xf32> to vector<512x64xf32>
    %mul3A_67 = vector.broadcast %get3A_53 : vector<1x64xf32> to vector<512x64xf32>
    %mul3A_68 = arith.mulf %mul3A_66, %mul3A_67 : vector<512x64xf32>
    %add3A_69 = arith.addf %mul3A_65, %mul3A_68 : vector<512x64xf32>
    %max3A = arith.maximumf %add3A, %add3A_69 : vector<512x64xf32>
    %slice3A_70 = vector.extract_strided_slice %get3A_47 {offsets = [0, 4], sizes = [512, 1], strides = [1, 1]} : vector<512x40xf32> to vector<512x1xf32>
    %slice3A_71 = vector.extract_strided_slice %get3A_47 {offsets = [0, 5], sizes = [512, 1], strides = [1, 1]} : vector<512x40xf32> to vector<512x1xf32>
    %mul3A_72 = vector.broadcast %slice3A_70 : vector<512x1xf32> to vector<512x64xf32>
    %mul3A_73 = vector.broadcast %get3A_50 : vector<1x64xf32> to vector<512x64xf32>
    %mul3A_74 = arith.mulf %mul3A_72, %mul3A_73 : vector<512x64xf32>
    %mul3A_75 = vector.broadcast %slice3A_71 : vector<512x1xf32> to vector<512x64xf32>
    %mul3A_76 = vector.broadcast %get3A_53 : vector<1x64xf32> to vector<512x64xf32>
    %mul3A_77 = arith.mulf %mul3A_75, %mul3A_76 : vector<512x64xf32>
    %add3A_78 = arith.addf %mul3A_74, %mul3A_77 : vector<512x64xf32>
    %max3A_79 = arith.maximumf %max3A, %add3A_78 : vector<512x64xf32>
    %slice3A_80 = vector.extract_strided_slice %get3A_47 {offsets = [0, 6], sizes = [512, 1], strides = [1, 1]} : vector<512x40xf32> to vector<512x1xf32>
    %slice3A_81 = vector.extract_strided_slice %get3A_47 {offsets = [0, 7], sizes = [512, 1], strides = [1, 1]} : vector<512x40xf32> to vector<512x1xf32>
    %mul3A_82 = vector.broadcast %slice3A_80 : vector<512x1xf32> to vector<512x64xf32>
    %mul3A_83 = vector.broadcast %get3A_50 : vector<1x64xf32> to vector<512x64xf32>
    %mul3A_84 = arith.mulf %mul3A_82, %mul3A_83 : vector<512x64xf32>
    %mul3A_85 = vector.broadcast %slice3A_81 : vector<512x1xf32> to vector<512x64xf32>
    %mul3A_86 = vector.broadcast %get3A_53 : vector<1x64xf32> to vector<512x64xf32>
    %mul3A_87 = arith.mulf %mul3A_85, %mul3A_86 : vector<512x64xf32>
    %add3A_88 = arith.addf %mul3A_84, %mul3A_87 : vector<512x64xf32>
    %max3A_89 = arith.maximumf %max3A_79, %add3A_88 : vector<512x64xf32>
    %slice3A_90 = vector.extract_strided_slice %get3A_47 {offsets = [0, 8], sizes = [512, 1], strides = [1, 1]} : vector<512x40xf32> to vector<512x1xf32>
    %slice3A_91 = vector.extract_strided_slice %get3A_47 {offsets = [0, 9], sizes = [512, 1], strides = [1, 1]} : vector<512x40xf32> to vector<512x1xf32>
    %mul3A_92 = vector.broadcast %slice3A_90 : vector<512x1xf32> to vector<512x64xf32>
    %mul3A_93 = vector.broadcast %get3A_50 : vector<1x64xf32> to vector<512x64xf32>
    %mul3A_94 = arith.mulf %mul3A_92, %mul3A_93 : vector<512x64xf32>
    %mul3A_95 = vector.broadcast %slice3A_91 : vector<512x1xf32> to vector<512x64xf32>
    %mul3A_96 = vector.broadcast %get3A_53 : vector<1x64xf32> to vector<512x64xf32>
    %mul3A_97 = arith.mulf %mul3A_95, %mul3A_96 : vector<512x64xf32>
    %add3A_98 = arith.addf %mul3A_94, %mul3A_97 : vector<512x64xf32>
    %max3A_99 = arith.maximumf %max3A_89, %add3A_98 : vector<512x64xf32>
    %slice3A_100 = vector.extract_strided_slice %get3A_47 {offsets = [0, 10], sizes = [512, 1], strides = [1, 1]} : vector<512x40xf32> to vector<512x1xf32>
    %slice3A_101 = vector.extract_strided_slice %get3A_47 {offsets = [0, 11], sizes = [512, 1], strides = [1, 1]} : vector<512x40xf32> to vector<512x1xf32>
    %mul3A_102 = vector.broadcast %slice3A_100 : vector<512x1xf32> to vector<512x64xf32>
    %mul3A_103 = vector.broadcast %get3A_50 : vector<1x64xf32> to vector<512x64xf32>
    %mul3A_104 = arith.mulf %mul3A_102, %mul3A_103 : vector<512x64xf32>
    %mul3A_105 = vector.broadcast %slice3A_101 : vector<512x1xf32> to vector<512x64xf32>
    %mul3A_106 = vector.broadcast %get3A_53 : vector<1x64xf32> to vector<512x64xf32>
    %mul3A_107 = arith.mulf %mul3A_105, %mul3A_106 : vector<512x64xf32>
    %add3A_108 = arith.addf %mul3A_104, %mul3A_107 : vector<512x64xf32>
    %max3A_109 = arith.maximumf %max3A_99, %add3A_108 : vector<512x64xf32>
    %slice3A_110 = vector.extract_strided_slice %get3A_47 {offsets = [0, 12], sizes = [512, 1], strides = [1, 1]} : vector<512x40xf32> to vector<512x1xf32>
    %slice3A_111 = vector.extract_strided_slice %get3A_47 {offsets = [0, 13], sizes = [512, 1], strides = [1, 1]} : vector<512x40xf32> to vector<512x1xf32>
    %mul3A_112 = vector.broadcast %slice3A_110 : vector<512x1xf32> to vector<512x64xf32>
    %mul3A_113 = vector.broadcast %get3A_50 : vector<1x64xf32> to vector<512x64xf32>
    %mul3A_114 = arith.mulf %mul3A_112, %mul3A_113 : vector<512x64xf32>
    %mul3A_115 = vector.broadcast %slice3A_111 : vector<512x1xf32> to vector<512x64xf32>
    %mul3A_116 = vector.broadcast %get3A_53 : vector<1x64xf32> to vector<512x64xf32>
    %mul3A_117 = arith.mulf %mul3A_115, %mul3A_116 : vector<512x64xf32>
    %add3A_118 = arith.addf %mul3A_114, %mul3A_117 : vector<512x64xf32>
    %max3A_119 = arith.maximumf %max3A_109, %add3A_118 : vector<512x64xf32>
    %slice3A_120 = vector.extract_strided_slice %get3A_47 {offsets = [0, 14], sizes = [512, 1], strides = [1, 1]} : vector<512x40xf32> to vector<512x1xf32>
    %slice3A_121 = vector.extract_strided_slice %get3A_47 {offsets = [0, 15], sizes = [512, 1], strides = [1, 1]} : vector<512x40xf32> to vector<512x1xf32>
    %mul3A_122 = vector.broadcast %slice3A_120 : vector<512x1xf32> to vector<512x64xf32>
    %mul3A_123 = vector.broadcast %get3A_50 : vector<1x64xf32> to vector<512x64xf32>
    %mul3A_124 = arith.mulf %mul3A_122, %mul3A_123 : vector<512x64xf32>
    %mul3A_125 = vector.broadcast %slice3A_121 : vector<512x1xf32> to vector<512x64xf32>
    %mul3A_126 = vector.broadcast %get3A_53 : vector<1x64xf32> to vector<512x64xf32>
    %mul3A_127 = arith.mulf %mul3A_125, %mul3A_126 : vector<512x64xf32>
    %add3A_128 = arith.addf %mul3A_124, %mul3A_127 : vector<512x64xf32>
    %max3A_129 = arith.maximumf %max3A_119, %add3A_128 : vector<512x64xf32>
    %slice3A_130 = vector.extract_strided_slice %get3A_47 {offsets = [0, 16], sizes = [512, 1], strides = [1, 1]} : vector<512x40xf32> to vector<512x1xf32>
    %slice3A_131 = vector.extract_strided_slice %get3A_47 {offsets = [0, 17], sizes = [512, 1], strides = [1, 1]} : vector<512x40xf32> to vector<512x1xf32>
    %mul3A_132 = vector.broadcast %slice3A_130 : vector<512x1xf32> to vector<512x64xf32>
    %mul3A_133 = vector.broadcast %get3A_50 : vector<1x64xf32> to vector<512x64xf32>
    %mul3A_134 = arith.mulf %mul3A_132, %mul3A_133 : vector<512x64xf32>
    %mul3A_135 = vector.broadcast %slice3A_131 : vector<512x1xf32> to vector<512x64xf32>
    %mul3A_136 = vector.broadcast %get3A_53 : vector<1x64xf32> to vector<512x64xf32>
    %mul3A_137 = arith.mulf %mul3A_135, %mul3A_136 : vector<512x64xf32>
    %add3A_138 = arith.addf %mul3A_134, %mul3A_137 : vector<512x64xf32>
    %max3A_139 = arith.maximumf %max3A_129, %add3A_138 : vector<512x64xf32>
    %slice3A_140 = vector.extract_strided_slice %get3A_47 {offsets = [0, 18], sizes = [512, 1], strides = [1, 1]} : vector<512x40xf32> to vector<512x1xf32>
    %slice3A_141 = vector.extract_strided_slice %get3A_47 {offsets = [0, 19], sizes = [512, 1], strides = [1, 1]} : vector<512x40xf32> to vector<512x1xf32>
    %mul3A_142 = vector.broadcast %slice3A_140 : vector<512x1xf32> to vector<512x64xf32>
    %mul3A_143 = vector.broadcast %get3A_50 : vector<1x64xf32> to vector<512x64xf32>
    %mul3A_144 = arith.mulf %mul3A_142, %mul3A_143 : vector<512x64xf32>
    %mul3A_145 = vector.broadcast %slice3A_141 : vector<512x1xf32> to vector<512x64xf32>
    %mul3A_146 = vector.broadcast %get3A_53 : vector<1x64xf32> to vector<512x64xf32>
    %mul3A_147 = arith.mulf %mul3A_145, %mul3A_146 : vector<512x64xf32>
    %add3A_148 = arith.addf %mul3A_144, %mul3A_147 : vector<512x64xf32>
    %max3A_149 = arith.maximumf %max3A_139, %add3A_148 : vector<512x64xf32>
    %slice3A_150 = vector.extract_strided_slice %get3A_47 {offsets = [0, 20], sizes = [512, 1], strides = [1, 1]} : vector<512x40xf32> to vector<512x1xf32>
    %slice3A_151 = vector.extract_strided_slice %get3A_47 {offsets = [0, 21], sizes = [512, 1], strides = [1, 1]} : vector<512x40xf32> to vector<512x1xf32>
    %mul3A_152 = vector.broadcast %slice3A_150 : vector<512x1xf32> to vector<512x64xf32>
    %mul3A_153 = vector.broadcast %get3A_50 : vector<1x64xf32> to vector<512x64xf32>
    %mul3A_154 = arith.mulf %mul3A_152, %mul3A_153 : vector<512x64xf32>
    %mul3A_155 = vector.broadcast %slice3A_151 : vector<512x1xf32> to vector<512x64xf32>
    %mul3A_156 = vector.broadcast %get3A_53 : vector<1x64xf32> to vector<512x64xf32>
    %mul3A_157 = arith.mulf %mul3A_155, %mul3A_156 : vector<512x64xf32>
    %add3A_158 = arith.addf %mul3A_154, %mul3A_157 : vector<512x64xf32>
    %max3A_159 = arith.maximumf %max3A_149, %add3A_158 : vector<512x64xf32>
    %slice3A_160 = vector.extract_strided_slice %get3A_47 {offsets = [0, 22], sizes = [512, 1], strides = [1, 1]} : vector<512x40xf32> to vector<512x1xf32>
    %slice3A_161 = vector.extract_strided_slice %get3A_47 {offsets = [0, 23], sizes = [512, 1], strides = [1, 1]} : vector<512x40xf32> to vector<512x1xf32>
    %mul3A_162 = vector.broadcast %slice3A_160 : vector<512x1xf32> to vector<512x64xf32>
    %mul3A_163 = vector.broadcast %get3A_50 : vector<1x64xf32> to vector<512x64xf32>
    %mul3A_164 = arith.mulf %mul3A_162, %mul3A_163 : vector<512x64xf32>
    %mul3A_165 = vector.broadcast %slice3A_161 : vector<512x1xf32> to vector<512x64xf32>
    %mul3A_166 = vector.broadcast %get3A_53 : vector<1x64xf32> to vector<512x64xf32>
    %mul3A_167 = arith.mulf %mul3A_165, %mul3A_166 : vector<512x64xf32>
    %add3A_168 = arith.addf %mul3A_164, %mul3A_167 : vector<512x64xf32>
    %max3A_169 = arith.maximumf %max3A_159, %add3A_168 : vector<512x64xf32>
    %slice3A_170 = vector.extract_strided_slice %get3A_47 {offsets = [0, 24], sizes = [512, 1], strides = [1, 1]} : vector<512x40xf32> to vector<512x1xf32>
    %slice3A_171 = vector.extract_strided_slice %get3A_47 {offsets = [0, 25], sizes = [512, 1], strides = [1, 1]} : vector<512x40xf32> to vector<512x1xf32>
    %mul3A_172 = vector.broadcast %slice3A_170 : vector<512x1xf32> to vector<512x64xf32>
    %mul3A_173 = vector.broadcast %get3A_50 : vector<1x64xf32> to vector<512x64xf32>
    %mul3A_174 = arith.mulf %mul3A_172, %mul3A_173 : vector<512x64xf32>
    %mul3A_175 = vector.broadcast %slice3A_171 : vector<512x1xf32> to vector<512x64xf32>
    %mul3A_176 = vector.broadcast %get3A_53 : vector<1x64xf32> to vector<512x64xf32>
    %mul3A_177 = arith.mulf %mul3A_175, %mul3A_176 : vector<512x64xf32>
    %add3A_178 = arith.addf %mul3A_174, %mul3A_177 : vector<512x64xf32>
    %max3A_179 = arith.maximumf %max3A_169, %add3A_178 : vector<512x64xf32>
    %slice3A_180 = vector.extract_strided_slice %get3A_47 {offsets = [0, 26], sizes = [512, 1], strides = [1, 1]} : vector<512x40xf32> to vector<512x1xf32>
    %slice3A_181 = vector.extract_strided_slice %get3A_47 {offsets = [0, 27], sizes = [512, 1], strides = [1, 1]} : vector<512x40xf32> to vector<512x1xf32>
    %mul3A_182 = vector.broadcast %slice3A_180 : vector<512x1xf32> to vector<512x64xf32>
    %mul3A_183 = vector.broadcast %get3A_50 : vector<1x64xf32> to vector<512x64xf32>
    %mul3A_184 = arith.mulf %mul3A_182, %mul3A_183 : vector<512x64xf32>
    %mul3A_185 = vector.broadcast %slice3A_181 : vector<512x1xf32> to vector<512x64xf32>
    %mul3A_186 = vector.broadcast %get3A_53 : vector<1x64xf32> to vector<512x64xf32>
    %mul3A_187 = arith.mulf %mul3A_185, %mul3A_186 : vector<512x64xf32>
    %add3A_188 = arith.addf %mul3A_184, %mul3A_187 : vector<512x64xf32>
    %max3A_189 = arith.maximumf %max3A_179, %add3A_188 : vector<512x64xf32>
    %slice3A_190 = vector.extract_strided_slice %get3A_47 {offsets = [0, 28], sizes = [512, 1], strides = [1, 1]} : vector<512x40xf32> to vector<512x1xf32>
    %slice3A_191 = vector.extract_strided_slice %get3A_47 {offsets = [0, 29], sizes = [512, 1], strides = [1, 1]} : vector<512x40xf32> to vector<512x1xf32>
    %mul3A_192 = vector.broadcast %slice3A_190 : vector<512x1xf32> to vector<512x64xf32>
    %mul3A_193 = vector.broadcast %get3A_50 : vector<1x64xf32> to vector<512x64xf32>
    %mul3A_194 = arith.mulf %mul3A_192, %mul3A_193 : vector<512x64xf32>
    %mul3A_195 = vector.broadcast %slice3A_191 : vector<512x1xf32> to vector<512x64xf32>
    %mul3A_196 = vector.broadcast %get3A_53 : vector<1x64xf32> to vector<512x64xf32>
    %mul3A_197 = arith.mulf %mul3A_195, %mul3A_196 : vector<512x64xf32>
    %add3A_198 = arith.addf %mul3A_194, %mul3A_197 : vector<512x64xf32>
    %max3A_199 = arith.maximumf %max3A_189, %add3A_198 : vector<512x64xf32>
    %slice3A_200 = vector.extract_strided_slice %get3A_47 {offsets = [0, 30], sizes = [512, 1], strides = [1, 1]} : vector<512x40xf32> to vector<512x1xf32>
    %slice3A_201 = vector.extract_strided_slice %get3A_47 {offsets = [0, 31], sizes = [512, 1], strides = [1, 1]} : vector<512x40xf32> to vector<512x1xf32>
    %mul3A_202 = vector.broadcast %slice3A_200 : vector<512x1xf32> to vector<512x64xf32>
    %mul3A_203 = vector.broadcast %get3A_50 : vector<1x64xf32> to vector<512x64xf32>
    %mul3A_204 = arith.mulf %mul3A_202, %mul3A_203 : vector<512x64xf32>
    %mul3A_205 = vector.broadcast %slice3A_201 : vector<512x1xf32> to vector<512x64xf32>
    %mul3A_206 = vector.broadcast %get3A_53 : vector<1x64xf32> to vector<512x64xf32>
    %mul3A_207 = arith.mulf %mul3A_205, %mul3A_206 : vector<512x64xf32>
    %add3A_208 = arith.addf %mul3A_204, %mul3A_207 : vector<512x64xf32>
    %max3A_209 = arith.maximumf %max3A_199, %add3A_208 : vector<512x64xf32>
    %slice3A_210 = vector.extract_strided_slice %get3A_47 {offsets = [0, 32], sizes = [512, 1], strides = [1, 1]} : vector<512x40xf32> to vector<512x1xf32>
    %slice3A_211 = vector.extract_strided_slice %get3A_47 {offsets = [0, 33], sizes = [512, 1], strides = [1, 1]} : vector<512x40xf32> to vector<512x1xf32>
    %mul3A_212 = vector.broadcast %slice3A_210 : vector<512x1xf32> to vector<512x64xf32>
    %mul3A_213 = vector.broadcast %get3A_50 : vector<1x64xf32> to vector<512x64xf32>
    %mul3A_214 = arith.mulf %mul3A_212, %mul3A_213 : vector<512x64xf32>
    %mul3A_215 = vector.broadcast %slice3A_211 : vector<512x1xf32> to vector<512x64xf32>
    %mul3A_216 = vector.broadcast %get3A_53 : vector<1x64xf32> to vector<512x64xf32>
    %mul3A_217 = arith.mulf %mul3A_215, %mul3A_216 : vector<512x64xf32>
    %add3A_218 = arith.addf %mul3A_214, %mul3A_217 : vector<512x64xf32>
    %max3A_219 = arith.maximumf %max3A_209, %add3A_218 : vector<512x64xf32>
    %slice3A_220 = vector.extract_strided_slice %get3A_47 {offsets = [0, 34], sizes = [512, 1], strides = [1, 1]} : vector<512x40xf32> to vector<512x1xf32>
    %slice3A_221 = vector.extract_strided_slice %get3A_47 {offsets = [0, 35], sizes = [512, 1], strides = [1, 1]} : vector<512x40xf32> to vector<512x1xf32>
    %mul3A_222 = vector.broadcast %slice3A_220 : vector<512x1xf32> to vector<512x64xf32>
    %mul3A_223 = vector.broadcast %get3A_50 : vector<1x64xf32> to vector<512x64xf32>
    %mul3A_224 = arith.mulf %mul3A_222, %mul3A_223 : vector<512x64xf32>
    %mul3A_225 = vector.broadcast %slice3A_221 : vector<512x1xf32> to vector<512x64xf32>
    %mul3A_226 = vector.broadcast %get3A_53 : vector<1x64xf32> to vector<512x64xf32>
    %mul3A_227 = arith.mulf %mul3A_225, %mul3A_226 : vector<512x64xf32>
    %add3A_228 = arith.addf %mul3A_224, %mul3A_227 : vector<512x64xf32>
    %max3A_229 = arith.maximumf %max3A_219, %add3A_228 : vector<512x64xf32>
    %slice3A_230 = vector.extract_strided_slice %get3A_47 {offsets = [0, 36], sizes = [512, 1], strides = [1, 1]} : vector<512x40xf32> to vector<512x1xf32>
    %slice3A_231 = vector.extract_strided_slice %get3A_47 {offsets = [0, 37], sizes = [512, 1], strides = [1, 1]} : vector<512x40xf32> to vector<512x1xf32>
    %mul3A_232 = vector.broadcast %slice3A_230 : vector<512x1xf32> to vector<512x64xf32>
    %mul3A_233 = vector.broadcast %get3A_50 : vector<1x64xf32> to vector<512x64xf32>
    %mul3A_234 = arith.mulf %mul3A_232, %mul3A_233 : vector<512x64xf32>
    %mul3A_235 = vector.broadcast %slice3A_231 : vector<512x1xf32> to vector<512x64xf32>
    %mul3A_236 = vector.broadcast %get3A_53 : vector<1x64xf32> to vector<512x64xf32>
    %mul3A_237 = arith.mulf %mul3A_235, %mul3A_236 : vector<512x64xf32>
    %add3A_238 = arith.addf %mul3A_234, %mul3A_237 : vector<512x64xf32>
    %max3A_239 = arith.maximumf %max3A_229, %add3A_238 : vector<512x64xf32>
    %slice3A_240 = vector.extract_strided_slice %get3A_47 {offsets = [0, 38], sizes = [512, 1], strides = [1, 1]} : vector<512x40xf32> to vector<512x1xf32>
    %slice3A_241 = vector.extract_strided_slice %get3A_47 {offsets = [0, 39], sizes = [512, 1], strides = [1, 1]} : vector<512x40xf32> to vector<512x1xf32>
    %mul3A_242 = vector.broadcast %slice3A_240 : vector<512x1xf32> to vector<512x64xf32>
    %mul3A_243 = vector.broadcast %get3A_50 : vector<1x64xf32> to vector<512x64xf32>
    %mul3A_244 = arith.mulf %mul3A_242, %mul3A_243 : vector<512x64xf32>
    %mul3A_245 = vector.broadcast %slice3A_241 : vector<512x1xf32> to vector<512x64xf32>
    %mul3A_246 = vector.broadcast %get3A_53 : vector<1x64xf32> to vector<512x64xf32>
    %mul3A_247 = arith.mulf %mul3A_245, %mul3A_246 : vector<512x64xf32>
    %add3A_248 = arith.addf %mul3A_244, %mul3A_247 : vector<512x64xf32>
    %max3A_249 = arith.maximumf %max3A_239, %add3A_248 : vector<512x64xf32>
    %get3A_250 = arith.constant 0 : index
    %get3A_251 = arith.constant 0 : index
    %get3A_252 = vector.load %arg9[%get3A_250, %get3A_251] : memref<1x64xf32, #tpu.memory_space<vmem>>, vector<1x64xf32>
    %add3A_253 = vector.broadcast %get3A_252 : vector<1x64xf32> to vector<512x64xf32>
    %add3A_254 = arith.addf %max3A_249, %add3A_253 : vector<512x64xf32>
    %swap3A_255 = arith.constant 0 : index
    %swap3A_256 = arith.constant 192 : index
    %swap3A_257 = vector.load %arg10[%swap3A_255, %swap3A_256] : memref<512x256xf32, #tpu.memory_space<vmem>>, vector<512x64xf32>
    tpu.vector_store %arg10[%swap3A_255, %swap3A_256], %add3A_254 {strides = array<i32>} : memref<512x256xf32, #tpu.memory_space<vmem>>, vector<512x64xf32>,
    return
  }
  func.func @transform_0(%arg0: i32) -> (i32, i32) {
    %c0_i32 = arith.constant 0 : i32
    %c0_i32_0 = arith.constant 0 : i32
    return %arg0, %c0_i32 : i32, i32
  }
  func.func @transform_1(%arg0: i32) -> (i32, i32) {
    %c0_i32 = arith.constant 0 : i32
    %c0_i32_0 = arith.constant 0 : i32
    return %arg0, %c0_i32 : i32, i32
  }
  func.func @transform_2(%arg0: i32) -> (i32, i32) {
    %c0_i32 = arith.constant 0 : i32
    %c0_i32_0 = arith.constant 0 : i32
    return %arg0, %c0_i32 : i32, i32
  }
  func.func @transform_3(%arg0: i32) -> (i32, i32) {
    %c0_i32 = arith.constant 0 : i32
    %c0_i32_0 = arith.constant 0 : i32
    return %arg0, %c0_i32 : i32, i32
  }
  func.func @transform_4(%arg0: i32) -> (i32, i32) {
    %c0_i32 = arith.constant 0 : i32
    %c0_i32_0 = arith.constant 0 : i32
    return %arg0, %c0_i32 : i32, i32
  }
  func.func @transform_5(%arg0: i32) -> (i32, i32) {
    %c0_i32 = arith.constant 0 : i32
    %c0_i32_0 = arith.constant 0 : i32
    return %arg0, %c0_i32 : i32, i32
  }
  func.func @transform_6(%arg0: i32) -> (i32, i32) {
    %c0_i32 = arith.constant 0 : i32
    %c0_i32_0 = arith.constant 0 : i32
    return %arg0, %c0_i32 : i32, i32
  }
  func.func @transform_7(%arg0: i32) -> (i32, i32) {
    %c0_i32 = arith.constant 0 : i32
    %c0_i32_0 = arith.constant 0 : i32
    %c0_i32_1 = arith.constant 0 : i32
    return %c0_i32, %c0_i32_0 : i32, i32
  }
  func.func @transform_8(%arg0: i32) -> (i32, i32) {
    %c0_i32 = arith.constant 0 : i32
    %c0_i32_0 = arith.constant 0 : i32
    %c0_i32_1 = arith.constant 0 : i32
    return %c0_i32, %c0_i32_0 : i32, i32
  }
  func.func @transform_9(%arg0: i32) -> (i32, i32) {
    %c0_i32 = arith.constant 0 : i32
    %c0_i32_0 = arith.constant 0 : i32
    return %arg0, %c0_i32 : i32, i32
  }
}

</mosaic_0001>

<sc_bundles>
// kernel: kernel.4.cloned.1.call-start
scs
__scs_entry_jumppad:
0x0: {  	(pc) =	sbr.rel $0x88, $3  }
0x1: {  	(tag) =	ssettag $0x0;
	lr =	simm.s32 $0x1  }
0x2: {  	[smem:$0x3F98] =	sst lr;
	_ =	strace $0xD0000000  }
0x3: {  	_ = 	snop  }
0x4: {  	_ = 	snop  }
0x5: {  	_ = 	snop  }
0x6: {  	_ = 	snop  }
0x7: {  	_ = 	snop  }
__scs_overlays_trampoline_lowered:
0x8: {  	[smem:$0x3FA7] =	sst s0  }
0x9: {  	[smem:$0x3FA8] =	sst s1  }
0xa: {  	[smem:$0x3FA9] =	sst s2  }
0xb: {  	[smem:$0x3FAA] =	sst s3  }
0xc: {  	[smem:$0x3FAB] =	sst s4  }
0xd: {  	[smem:$0x3FAC] =	sst s5  }
0xe: {  	[smem:$0x3FAD] =	sst s6  }
0xf: {  	[smem:$0x3FAE] =	sst s7  }
0x10: {  	[smem:$0x3FAF] =	sst s8  }
0x11: {  	[smem:$0x3FB0] =	sst s9;
	s0 =	simm.s32 @!p0 $0x0  }
0x12: {  	s1 =	sld [smem:$0x3F96];
	s0 =	simm.s32 @p0 $0x1  }
0x13: {  	[smem:$0x3FB1] =	sst s0;
	s0 =	simm.s32 @!p1 $0x0  }
0x14: {  	s2 =	sld [smem:$0x3F95];
	s0 =	simm.s32 @p1 $0x1  }
0x15: {  	[smem:$0x3FB2] =	sst s0;
	s0 =	simm.s32 @!p2 $0x0  }
0x16: {  	s3 =	sld [smem:$0x3FDB];
	s0 =	simm.s32 @p2 $0x1  }
0x17: {  	s4 =	simm.s32 $0x1BF5;
	[smem:$0x3FB4] =	sst s0  }
0x18: {  	s0 =	sld [smem:$0x3F97];
	_ =	swait.ge [sflag:s4], $0x0  }
0x19: {  	s7 =	sld [smem:$0x3F98]  }
0x1a: {  	s8 =	sadd.s32 $0xFFFFE003, lr  }
0x1b: {  	s9 =	sadd.s32 $0xFFFFFEF7, lr;
	s5 =	simm.s32 $0xFFFFFFFF;
	p2 =	slt.u32 s8, $0xFFFFF086  }
0x1c: {  	p1 =	slt.u32 s9, $0xF7A;
	s5 =	simm.s32 @!p2 $0x0  }
0x1d: {  	s5 =	simm.s32 @p1 $0x1;
	p0 =	seq.s32 s7, s2  }
0x1e: {  	s7 =	smul.u32 @!p0 $0xF7A, s2;
	p2 =	seq.s32 @!p0 s5, $0x0  }
0x1f: {  	s9 =	smul.u32 $0xF7A, s1;
	s8 =	simm.s32 @!p0 $0x1BF5;
	p2 =	por !p2, p0  }
0x20: {  	[sflag:s8] =	ssyncset.s32 @!p0 $0xFFFFF086;
	s6 =	sadd.s32 @!p0 s3, s7;
	s7 =	simm.s32 @!p0 $0x108  }
0x21: {  	s3 =	sadd.s32 s3, s9;
	s6 =	sadd.s32 @!p0 $0x88, s6;
	s7 =	simm.s32 @p2 $0x1082  }
0x22: {  	[simem:s7], [sflag:s8] =	dma.local @!p0 [hbm:s6], $0xF7A  }
0x23: {  	s9 =	sor.u32 $0xD0000000, s2;
	s6 =	simm.s32 $0x108;
	_ =	swait.ge @!p0 [sflag:s8], $0x0  }
0x24: {  	s3 =	sadd.s32 $0x88, s3;
	s6 =	simm.s32 @!p1 $0x1082;
	[sflag:s4] =	ssyncset.s32 $0xFFFFF086  }
0x25: {  	[simem:s6], [sflag:s4] =	dma.local [hbm:s3], $0xF7A  }
0x26: {  	[smem:$0x3F98] =	sst s1;
	(tag) =	ssettag s2;
	_ =	strace s9  }
0x27: {  	s1 =	sld [smem:$0x3FA8]  }
0x28: {  	s2 =	sld [smem:$0x3FA9]  }
0x29: {  	s4 =	sld [smem:$0x3FAB]  }
0x2a: {  	p0 =	seq.s32 s5, $0x0;
	s5 =	sld [smem:$0x3FAC]  }
0x2b: {  	s6 =	sld [smem:$0x3FAD]  }
0x2c: {  	s7 =	sld [smem:$0x3FAE]  }
0x2d: {  	s3 =	simm.s32 $0x108;
	s8 =	sld [smem:$0x3FAF]  }
0x2e: {  	s3 =	simm.s32 @!p0 $0x1082;
	s9 =	sld [smem:$0x3FB0]  }
0x2f: {  	lr =	sadd.s32 s0, s3;
	s0 =	sld [smem:$0x3FA7]  }
0x30: {  	s3 =	sld [smem:$0x3FAA]  }
0x31: {  	[smem:$0x3FB3] =	sst s10  }
0x32: {  	s10 =	sld [smem:$0x3FB1];
	_ =	sdelay $0x3  }
0x33: {  	p0 =	seq.s32 s10, $0x1;
	s10 =	sld [smem:$0x3FB3];
	_ =	sdelay $0x3  }
0x34: {  	[smem:$0x3FB3] =	sst s10  }
0x35: {  	s10 =	sld [smem:$0x3FB2];
	_ =	sdelay $0x3  }
0x36: {  	p1 =	seq.s32 s10, $0x1;
	s10 =	sld [smem:$0x3FB3];
	_ =	sdelay $0x3  }
0x37: {  	[smem:$0x3FB3] =	sst s10  }
0x38: {  	s10 =	sld [smem:$0x3FB4]  }
0x39: {  	_ = 	snop;
	(pc) =	sbr.ind lr, $3  }
0x3a: {  	_ = 	snop  }
0x3b: {  	_ = 	snop  }
0x3c: {  	p2 =	seq.s32 s10, $0x1;
	s10 =	sld [smem:$0x3FB3]  }
0x3d: {  	_ =	shalt  }
0x3e: {  	_ =	shalt  }
0x3f: {  	_ =	shalt  }
0x40: {  	_ =	shalt  }
0x41: {  	_ =	shalt  }
0x42: {  	_ =	shalt  }
0x43: {  	_ =	shalt  }
0x44: {  	_ =	shalt  }
0x45: {  	_ =	shalt  }
0x46: {  	_ =	shalt  }
0x47: {  	_ =	shalt  }
0x48: {  	_ =	shalt  }
0x49: {  	_ =	shalt  }
0x4a: {  	_ =	shalt  }
0x4b: {  	_ =	shalt  }
0x4c: {  	_ =	shalt  }
0x4d: {  	_ =	shalt  }
0x4e: {  	_ =	shalt  }
0x4f: {  	_ =	shalt  }
0x50: {  	_ =	shalt  }
0x51: {  	_ =	shalt  }
0x52: {  	_ =	shalt  }
0x53: {  	_ =	shalt  }
0x54: {  	_ =	shalt  }
0x55: {  	_ =	shalt  }
0x56: {  	_ =	shalt  }
0x57: {  	_ =	shalt  }
0x58: {  	_ =	shalt  }
0x59: {  	_ =	shalt  }
0x5a: {  	_ =	shalt  }
0x5b: {  	_ =	shalt  }
0x5c: {  	_ =	shalt  }
0x5d: {  	_ =	shalt  }
0x5e: {  	_ =	shalt  }
0x5f: {  	_ =	shalt  }
0x60: {  	_ =	shalt  }
0x61: {  	_ =	shalt  }
0x62: {  	_ =	shalt  }
0x63: {  	_ =	shalt  }
0x64: {  	_ =	shalt  }
0x65: {  	_ =	shalt  }
0x66: {  	_ =	shalt  }
0x67: {  	_ =	shalt  }
0x68: {  	_ =	shalt  }
0x69: {  	_ =	shalt  }
0x6a: {  	_ =	shalt  }
0x6b: {  	_ =	shalt  }
0x6c: {  	_ =	shalt  }
0x6d: {  	_ =	shalt  }
0x6e: {  	_ =	shalt  }
0x6f: {  	_ =	shalt  }
0x70: {  	_ =	shalt  }
0x71: {  	_ =	shalt  }
0x72: {  	_ =	shalt  }
0x73: {  	_ =	shalt  }
0x74: {  	_ =	shalt  }
0x75: {  	_ =	shalt  }
0x76: {  	_ =	shalt  }
0x77: {  	_ =	shalt  }
0x78: {  	_ =	shalt  }
0x79: {  	_ =	shalt  }
0x7a: {  	_ =	shalt  }
0x7b: {  	_ =	shalt  }
0x7c: {  	_ =	shalt  }
0x7d: {  	_ =	shalt  }
0x7e: {  	_ =	shalt  }
0x7f: {  	_ =	shalt  }
0x80: {  	_ =	shalt  }
0x81: {  	_ =	shalt  }
0x82: {  	_ =	shalt  }
0x83: {  	_ =	shalt  }
0x84: {  	_ =	shalt  }
0x85: {  	_ =	shalt  }
0x86: {  	_ =	shalt  }
0x87: {  	_ =	shalt  }
.Lfunc_end0:
.L_simem_size_0:
called_computation_lowered:
.L_overlay_start_0:
0x88: {  	s2 =	sld [smem:$0x3FD9]  }
0x89: {  	s3 =	sld [smem:$0x3FFE];
	_ =	sdelay $0x1  }
0x8a: {  	s1 =	srdreg.scid  }
0x8b: {  	s0 =	sand.u32 $0x1, s1  }
0x8c: {  	s17 =	sshll.u32 s0, $0xA;
	s2 =	sadd.s32 s3, s2  }
0x8d: {  	s2 =	sadd.s32 s2, s17  }
0x8e: {  	[smem:$0x3FBF] =	sst s2  }
0x8f: {  	_ = 	snop  }
0x90: {  	s2 =	sld [smem:$0x3FD0];
	(tm) =	ssettm $0x1  }
0x91: {  	s18 =	sld [smem:$0x3FFB];
	_ =	sdelay $0x3  }
0x92: {  	_ =	strace s18  }
0x93: {  	s3 =	sld [smem:$0x3FFC];
	_ =	sdelay $0x3  }
0x94: {  	_ =	strace s3  }
0x95: {  	s3 =	sld [smem:$0x3FFD];
	_ =	sdelay $0x3  }
0x96: {  	_ =	strace s3  }
0x97: {  	_ =	strace $0x8FFFFFFF  }
0x98: {  	s19 =	sld [smem:$0x3FDB];
	_ =	sdelay $0x1  }
0x99: {  	s4 =	simm.s32 $_scs_section_size  }
0x9a: {  	s5 =	simm.s32 $_size__tile_overlayer_lowered;
	s6 =	simm.s32 $_tile_overlayer_lowered  }
0x9b: {  	s22 =	simm.s32 $0x1BFF;
	s21 =	sshll.u32 s6, $0x1;
	s3 =	sadd.s32 s4, s19  }
0x9c: {  	s7 =	simm.s32 $0x0;
	s20 =	sshll.u32 s5, $0x1;
	s5 =	sadd.s32 s21, s3  }
0x9d: {  	[timem:s7], [sflag:s22] =	dma.local [hbm:s5], s20  }
0x9e: {  	_ =	swait.ge [sflag:s22], s20  }
0x9f: {  	s4 =	ssub.s32 $0x0, s20;
	[sflag:s22] =	ssyncset.done $0x0  }
0xa0: {  	[sflag:s22] =	ssyncadd.s32 s4;
	_ =	sdelay $0x1  }
0xa1: {  	s23 =	simm.s32 $0x1B8B  }
0xa2: {  	_ =	swait.ge [sflag:s23], $0x1  }
0xa3: {  	[sflag:s23] =	ssyncset.done $0x0  }
0xa4: {  	s25 =	simm.s32 $0x1B8E;
	s24 =	sld [smem:$0x3FFE];
	[sflag:s23] =	ssyncadd.s32 $0xFFFFFFFF  }
0xa5: {  	s26 =	simm.s32 $execute0_lowered;
	[smem:$0x3FD2] =	sst s25  }
0xa6: {  	s5 =	sshll.u32 s26, $0x1;
	_ =	strace $0x80000046;
	[dreg:$0x1] =	wrdreg $0xFFFFFFFF  }
0xa7: {  	s28 =	simm.s32 $_size_execute0_lowered;
	s3 =	sadd.s32 s3, s5;
	[dreg:$0x0] =	wrdreg $0x0  }
0xa8: {  	s5 =	sshll.u32 s28, $0x1;
	[dreg:$0x2] =	wrdreg s3  }
0xa9: {  	[dreg:$0x3] =	wrdreg s5  }
0xaa: {  	[dreg:$0x4] =	wrdreg $0xC0  }
0xab: {  	_ =	task [dreg:s7], $0x5FFFF  }
0xac: {  	[dreg:$0x1] =	wrdreg $0xFFFFFFFF  }
0xad: {  	[dreg:$0x0] =	wrdreg $0x60  }
0xae: {  	[dreg:$0x2] =	wrdreg s24  }
0xaf: {  	[dreg:$0x3] =	wrdreg s2  }
0xb0: {  	[dreg:$0x4] =	wrdreg $0x9  }
0xb1: {  	_ =	task.clear_ibuf [dreg:s7], $0x5FFFF;
	_ =	strace $0x90000046  }
0xb2: {  	s29 =	simm.s32 $0x9;
	_ =	strace $0x80000048  }
0xb3: {  	_ =	swait.ge [sflag:s29], $0x1  }
0xb4: {  	[sflag:s29] =	ssyncadd.s32 $0xFFFFFFFF  }
0xb5: {  	_ =	strace $0x90000048  }
0xb6: {  	_ =	sfence  }
0xb7: {  	s30 =	sld [smem:$0x0];
	_ =	sdelay $0x2  }
0xb8: {  	s31 =	sshll.u32 s1, $0xD;
	s1 =	sshrl.u32 s1, $0x2  }
0xb9: {  	s3 =	sand.u32 $0x4000, s31;
	s1 =	sadd.s32 s1, s30  }
0xba: {  	s0 =	sor.u32 s3, s0;
	s1 =	sshll.u32 s1, $0x11  }
0xbb: {  	s0 =	sor.u32 s1, s0  }
0xbc: {  	s0 =	sadd.s32 $0x8F2B, s0  }
0xbd: {  	[sflag:s0] =	ssyncadd.remote.s32 $0x1  }
0xbe: {  	_ =	sfence.sel $0xFFFF  }
0xbf: {  	[dreg:$0x0] =	wrdreg $0xFFFFFFFF;
	(pc) =	sbr.abs _section_cstart, $3  }
0xc0: {  	[dreg:$0x1] =	wrdreg $0xFFFFFFFF  }
0xc1: {  	_ =	task.clear_ibuf [dreg:s7], $0x2FFFF;
	_ =	strace $0x9FFFFFFF  }
0xc2: {  	(tm) =	ssettm $0x7FFFFFFF  }
0xc3: {  	_ =	shalt  }
tec
execute0_lowered:
.L_overlay_start_1:
0x0: {  	(tag) =	ssettag $0x1  }
0x1: {  	s0 =	srdreg.scid  }
0x2: {  	s1 =	stileid.u32;
	s31 =	sand.u32 $0x1, s0  }
0x3: {  	s10 =	rddreg [dreg:$0x0];
	s12 =	sshll.u32 s1, $0xA;
	s3 =	sshll.u32 s31, $0x9  }
0x4: {  	s29 =	rddreg [dreg:$0x1];
	s2 =	simm.s32 $0x0;
	s0 =	sor.u32 s3, s12  }
0x5: {  	[smem:$0x7FF] =	sst s2;
	s25 =	sadd.s32 $0x8C00, s10;
	s3 =	sshrl.u32 s0, $0x3  }
0x6: {  	s26 =	sadd.s32 $0x2C00, s10;
	s28 =	sadd.s32 $0x8400, s10;
	s4 =	sadd.s32 s25, s3  }
0x7: {  	_ =	strace $0x80000047;
	s13 =	sadd.s32 s26, s3;
	[dreg:$0x3] =	wrdreg s4  }
0x8: {  	s14 =	sshll.u32 s0, $0x4;
	s3 =	sadd.s32 s28, s3;
	[dreg:$0x4] =	wrdreg s13  }
0x9: {  	s30 =	sadd.s32 $0x9400, s10;
	s15 =	sadd.s32 s29, s14;
	[dreg:$0x5] =	wrdreg s3  }
0xa: {  	s1 =	sadd.s32 $0x49400, s10;
	s16 =	sadd.s32 s30, s14;
	[dreg:$0x6] =	wrdreg s15  }
0xb: {  	s17 =	sadd.s32 s1, s14;
	[dreg:$0x7] =	wrdreg s16;
	s16 =	sor.u32 $0x80, s0  }
0xc: {  	[dreg:$0x8] =	wrdreg s17;
	s15 =	sshrl.u32 s16, $0x3  }
0xd: {  	s19 =	rddreg [dreg:$0x3];
	s18 =	sadd.s32 s25, s15  }
0xe: {  	[tilespmem:s2], [sflag:$0x4] =	stream.linear.gather [hbm4b:s19+s2], $0x80, $0x38;
	[tilespmem:$0xC180] =	vst v63  }
0xf: {  	s20 =	sadd.s32 s26, s15;
	[dreg:$0x9] =	wrdreg s18  }
0x10: {  	s3 =	simm.s32 $0x4;
	[dreg:$0xa] =	wrdreg s20  }
0x11: {  	_ =	swait.ge [sflag:s3], $0x80  }
0x12: {  	[sflag:s3] =	ssyncset.done $0x0  }
0x13: {  	s4 =	simm.s32 $0x80;
	s5 =	rddreg [dreg:$0x4];
	[sflag:s3] =	ssyncadd.s32 $0xFFFFFF80  }
0x14: {  	[tilespmem:s4], [sflag:$0x4] =	stream.linear.gather [hbm4b:s5+s2], $0x80, $0x38;
	[tilespmem:$0xC180] =	vst v63  }
0x15: {  	_ =	swait.ge [sflag:s3], $0x80  }
0x16: {  	[sflag:s3] =	ssyncset.done $0x0  }
0x17: {  	s5 =	simm.s32 $0x100;
	s6 =	rddreg [dreg:$0x5];
	[sflag:s3] =	ssyncadd.s32 $0xFFFFFF80  }
0x18: {  	[tilespmem:s5], [sflag:$0x4] =	stream.linear.gather [hbm4b:s6+s2], $0x80, $0x38;
	[tilespmem:$0xC180] =	vst v63  }
0x19: {  	_ =	swait.ge [sflag:s3], $0x80  }
0x1a: {  	[sflag:s3] =	ssyncset.done $0x0  }
0x1b: {  	s7 =	simm.s32 $0x4180;
	s6 =	sadd.s32 $0xF45800, s10;
	[sflag:s3] =	ssyncadd.s32 $0xFFFFFF80  }
0x1c: {  	[tilespmem:s7], [sflag:$0x2] =	stream.indirect.gather [hbm4b:s6+s4], $0x80, s4, s4, $0xb8;
	[tilespmem:$0xC180] =	vst v63  }
0x1d: {  	s9 =	simm.s32 $0x180;
	s8 =	sadd.s32 $0x3400, s10  }
0x1e: {  	[tilespmem:s9], [sflag:$0x1] =	stream.indirect.gather [hbm4b:s8+s4], $0x80, s2, s4, $0xb8;
	[tilespmem:$0xC180] =	vst v63  }
0x1f: {  	s11 =	simm.s32 $0x8180;
	s12 =	simm.s32 $0x2;
	s10 =	sadd.s32 $0x5400, s10  }
0x20: {  	[tilespmem:s11], [sflag:$0x3] =	stream.indirect.gather [hbm4b:s10+s4], $0x80, s5, s4, $0xb8;
	[tilespmem:$0xC180] =	vst v63  }
0x21: {  	_ =	swait.ge [sflag:s12], $0x4000  }
0x22: {  	[sflag:s12] =	ssyncset.done $0x0  }
0x23: {  	s13 =	simm.s32 $0x1;
	[sflag:s12] =	ssyncadd.s32 $0xFFFFC000  }
0x24: {  	_ =	swait.ge [sflag:s13], $0x4000  }
0x25: {  	[sflag:s13] =	ssyncset.done $0x0  }
0x26: {  	s14 =	simm.s32 $0x3;
	[sflag:s13] =	ssyncadd.s32 $0xFFFFC000  }
0x27: {  	_ =	swait.ge [sflag:s14], $0x4000  }
0x28: {  	[sflag:s14] =	ssyncset.done $0x0  }
0x29: {  	s17 =	rddreg [dreg:$0x6];
	[sflag:s14] =	ssyncadd.s32 $0xFFFFC000  }
0x2a: {  	[hbm4b:s17+s2] =	stream.linear.scatter [tilespmem:s9], [sflag:$0x4], $0x4000, $0x38;
	[tilespmem:$0xC180] =	vst v63  }
0x2b: {  	_ =	swait.ge [sflag:s3], $0x4000  }
0x2c: {  	[sflag:s3] =	ssyncset.done $0x0  }
0x2d: {  	s21 =	rddreg [dreg:$0x7];
	[sflag:s3] =	ssyncadd.s32 $0xFFFFC000  }
0x2e: {  	[hbm4b:s21+s2] =	stream.linear.scatter [tilespmem:s7], [sflag:$0x4], $0x4000, $0x38;
	[tilespmem:$0xC180] =	vst v63  }
0x2f: {  	_ =	swait.ge [sflag:s3], $0x4000  }
0x30: {  	[sflag:s3] =	ssyncset.done $0x0  }
0x31: {  	s22 =	rddreg [dreg:$0x8];
	[sflag:s3] =	ssyncadd.s32 $0xFFFFC000  }
0x32: {  	[hbm4b:s22+s2] =	stream.linear.scatter [tilespmem:s11], [sflag:$0x4], $0x4000, $0x38;
	[tilespmem:$0xC180] =	vst v63  }
0x33: {  	_ =	swait.ge [sflag:s3], $0x4000  }
0x34: {  	[sflag:s3] =	ssyncset.done $0x0  }
0x35: {  	s23 =	rddreg [dreg:$0x9];
	[sflag:s3] =	ssyncadd.s32 $0xFFFFC000  }
0x36: {  	[tilespmem:s2], [sflag:$0x4] =	stream.linear.gather [hbm4b:s23+s2], $0x80, $0x38;
	[tilespmem:$0xC180] =	vst v63  }
0x37: {  	_ =	swait.ge [sflag:s3], $0x80  }
0x38: {  	[sflag:s3] =	ssyncset.done $0x0  }
0x39: {  	s24 =	rddreg [dreg:$0xa];
	[sflag:s3] =	ssyncadd.s32 $0xFFFFFF80  }
0x3a: {  	[tilespmem:s4], [sflag:$0x4] =	stream.linear.gather [hbm4b:s24+s2], $0x80, $0x38;
	[tilespmem:$0xC180] =	vst v63  }
0x3b: {  	_ =	swait.ge [sflag:s3], $0x80  }
0x3c: {  	[sflag:s3] =	ssyncset.done $0x0  }
0x3d: {  	s15 =	sadd.s32 s28, s15;
	[sflag:s3] =	ssyncadd.s32 $0xFFFFFF80  }
0x3e: {  	[tilespmem:s5], [sflag:$0x4] =	stream.linear.gather [hbm4b:s15+s2], $0x80, $0x38;
	[tilespmem:$0xC180] =	vst v63  }
0x3f: {  	_ =	swait.ge [sflag:s3], $0x80  }
0x40: {  	[sflag:s3] =	ssyncset.done $0x0  }
0x41: {  	[sflag:s3] =	ssyncadd.s32 $0xFFFFFF80  }
0x42: {  	[tilespmem:s7], [sflag:$0x2] =	stream.indirect.gather [hbm4b:s6+s4], $0x80, s4, s4, $0xb8;
	[tilespmem:$0xC180] =	vst v63  }
0x43: {  	_ = 	snop  }
0x44: {  	[tilespmem:s9], [sflag:$0x1] =	stream.indirect.gather [hbm4b:s8+s4], $0x80, s2, s4, $0xb8;
	[tilespmem:$0xC180] =	vst v63  }
0x45: {  	_ = 	snop  }
0x46: {  	[tilespmem:s11], [sflag:$0x3] =	stream.indirect.gather [hbm4b:s10+s4], $0x80, s5, s4, $0xb8;
	[tilespmem:$0xC180] =	vst v63  }
0x47: {  	_ =	swait.ge [sflag:s12], $0x4000  }
0x48: {  	[sflag:s12] =	ssyncset.done $0x0  }
0x49: {  	[sflag:s12] =	ssyncadd.s32 $0xFFFFC000  }
0x4a: {  	_ =	swait.ge [sflag:s13], $0x4000  }
0x4b: {  	[sflag:s13] =	ssyncset.done $0x0  }
0x4c: {  	[sflag:s13] =	ssyncadd.s32 $0xFFFFC000  }
0x4d: {  	_ =	swait.ge [sflag:s14], $0x4000  }
0x4e: {  	s18 =	sshll.u32 s16, $0x4;
	[sflag:s14] =	ssyncset.done $0x0  }
0x4f: {  	s16 =	sadd.s32 s29, s18;
	[sflag:s14] =	ssyncadd.s32 $0xFFFFC000  }
0x50: {  	[hbm4b:s16+s2] =	stream.linear.scatter [tilespmem:s9], [sflag:$0x4], $0x4000, $0x38;
	[tilespmem:$0xC180] =	vst v63  }
0x51: {  	_ =	swait.ge [sflag:s3], $0x4000  }
0x52: {  	[sflag:s3] =	ssyncset.done $0x0  }
0x53: {  	s17 =	sadd.s32 s30, s18;
	[sflag:s3] =	ssyncadd.s32 $0xFFFFC000  }
0x54: {  	[hbm4b:s17+s2] =	stream.linear.scatter [tilespmem:s7], [sflag:$0x4], $0x4000, $0x38;
	[tilespmem:$0xC180] =	vst v63  }
0x55: {  	_ =	swait.ge [sflag:s3], $0x4000  }
0x56: {  	[sflag:s3] =	ssyncset.done $0x0  }
0x57: {  	s18 =	sadd.s32 s1, s18;
	[dreg:$0xb] =	wrdreg s1;
	[sflag:s3] =	ssyncadd.s32 $0xFFFFC000  }
0x58: {  	[hbm4b:s18+s2] =	stream.linear.scatter [tilespmem:s11], [sflag:$0x4], $0x4000, $0x38;
	[tilespmem:$0xC180] =	vst v63  }
0x59: {  	s22 =	sor.u32 $0x100, s0;
	_ =	swait.ge [sflag:s3], $0x4000  }
0x5a: {  	s21 =	sshrl.u32 s22, $0x3;
	[sflag:s3] =	ssyncset.done $0x0  }
0x5b: {  	s19 =	sadd.s32 s25, s21;
	[sflag:s3] =	ssyncadd.s32 $0xFFFFC000  }
0x5c: {  	[tilespmem:s2], [sflag:$0x4] =	stream.linear.gather [hbm4b:s19+s2], $0x80, $0x38;
	[tilespmem:$0xC180] =	vst v63  }
0x5d: {  	_ =	swait.ge [sflag:s3], $0x80  }
0x5e: {  	[sflag:s3] =	ssyncset.done $0x0  }
0x5f: {  	s20 =	sadd.s32 s26, s21;
	[sflag:s3] =	ssyncadd.s32 $0xFFFFFF80  }
0x60: {  	[tilespmem:s4], [sflag:$0x4] =	stream.linear.gather [hbm4b:s20+s2], $0x80, $0x38;
	[tilespmem:$0xC180] =	vst v63  }
0x61: {  	_ =	swait.ge [sflag:s3], $0x80  }
0x62: {  	[sflag:s3] =	ssyncset.done $0x0  }
0x63: {  	s21 =	sadd.s32 s28, s21;
	[sflag:s3] =	ssyncadd.s32 $0xFFFFFF80  }
0x64: {  	[tilespmem:s5], [sflag:$0x4] =	stream.linear.gather [hbm4b:s21+s2], $0x80, $0x38;
	[tilespmem:$0xC180] =	vst v63  }
0x65: {  	_ =	swait.ge [sflag:s3], $0x80  }
0x66: {  	[sflag:s3] =	ssyncset.done $0x0  }
0x67: {  	[sflag:s3] =	ssyncadd.s32 $0xFFFFFF80  }
0x68: {  	[tilespmem:s7], [sflag:$0x2] =	stream.indirect.gather [hbm4b:s6+s4], $0x80, s4, s4, $0xb8;
	[tilespmem:$0xC180] =	vst v63  }
0x69: {  	_ = 	snop  }
0x6a: {  	[tilespmem:s9], [sflag:$0x1] =	stream.indirect.gather [hbm4b:s8+s4], $0x80, s2, s4, $0xb8;
	[tilespmem:$0xC180] =	vst v63  }
0x6b: {  	_ = 	snop  }
0x6c: {  	[tilespmem:s11], [sflag:$0x3] =	stream.indirect.gather [hbm4b:s10+s4], $0x80, s5, s4, $0xb8;
	[tilespmem:$0xC180] =	vst v63  }
0x6d: {  	_ =	swait.ge [sflag:s12], $0x4000  }
0x6e: {  	[sflag:s12] =	ssyncset.done $0x0  }
0x6f: {  	[sflag:s12] =	ssyncadd.s32 $0xFFFFC000  }
0x70: {  	_ =	swait.ge [sflag:s13], $0x4000  }
0x71: {  	[sflag:s13] =	ssyncset.done $0x0  }
0x72: {  	[sflag:s13] =	ssyncadd.s32 $0xFFFFC000  }
0x73: {  	_ =	swait.ge [sflag:s14], $0x4000  }
0x74: {  	s24 =	sshll.u32 s22, $0x4;
	[sflag:s14] =	ssyncset.done $0x0  }
0x75: {  	s22 =	sadd.s32 s29, s24;
	[sflag:s14] =	ssyncadd.s32 $0xFFFFC000  }
0x76: {  	[hbm4b:s22+s2] =	stream.linear.scatter [tilespmem:s9], [sflag:$0x4], $0x4000, $0x38;
	[tilespmem:$0xC180] =	vst v63  }
0x77: {  	_ =	swait.ge [sflag:s3], $0x4000  }
0x78: {  	[sflag:s3] =	ssyncset.done $0x0  }
0x79: {  	s23 =	sadd.s32 s30, s24;
	[sflag:s3] =	ssyncadd.s32 $0xFFFFC000  }
0x7a: {  	[hbm4b:s23+s2] =	stream.linear.scatter [tilespmem:s7], [sflag:$0x4], $0x4000, $0x38;
	[tilespmem:$0xC180] =	vst v63  }
0x7b: {  	_ =	swait.ge [sflag:s3], $0x4000  }
0x7c: {  	[sflag:s3] =	ssyncset.done $0x0  }
0x7d: {  	s24 =	sadd.s32 s1, s24;
	[sflag:s3] =	ssyncadd.s32 $0xFFFFC000  }
0x7e: {  	[hbm4b:s24+s2] =	stream.linear.scatter [tilespmem:s11], [sflag:$0x4], $0x4000, $0x38;
	[tilespmem:$0xC180] =	vst v63  }
0x7f: {  	s1 =	sor.u32 $0x180, s0;
	_ =	swait.ge [sflag:s3], $0x4000  }
0x80: {  	s0 =	sshrl.u32 s1, $0x3;
	[sflag:s3] =	ssyncset.done $0x0  }
0x81: {  	s25 =	sadd.s32 s25, s0;
	[sflag:s3] =	ssyncadd.s32 $0xFFFFC000  }
0x82: {  	[tilespmem:s2], [sflag:$0x4] =	stream.linear.gather [hbm4b:s25+s2], $0x80, $0x38;
	[tilespmem:$0xC180] =	vst v63  }
0x83: {  	_ =	swait.ge [sflag:s3], $0x80  }
0x84: {  	[sflag:s3] =	ssyncset.done $0x0  }
0x85: {  	s26 =	sadd.s32 s26, s0;
	[sflag:s3] =	ssyncadd.s32 $0xFFFFFF80  }
0x86: {  	[tilespmem:s4], [sflag:$0x4] =	stream.linear.gather [hbm4b:s26+s2], $0x80, $0x38;
	[tilespmem:$0xC180] =	vst v63  }
0x87: {  	_ =	swait.ge [sflag:s3], $0x80  }
0x88: {  	[sflag:s3] =	ssyncset.done $0x0  }
0x89: {  	s28 =	sadd.s32 s28, s0;
	[sflag:s3] =	ssyncadd.s32 $0xFFFFFF80  }
0x8a: {  	[tilespmem:s5], [sflag:$0x4] =	stream.linear.gather [hbm4b:s28+s2], $0x80, $0x38;
	[tilespmem:$0xC180] =	vst v63  }
0x8b: {  	_ =	swait.ge [sflag:s3], $0x80  }
0x8c: {  	[sflag:s3] =	ssyncset.done $0x0  }
0x8d: {  	[sflag:s3] =	ssyncadd.s32 $0xFFFFFF80  }
0x8e: {  	[tilespmem:s7], [sflag:$0x2] =	stream.indirect.gather [hbm4b:s6+s4], $0x80, s4, s4, $0xb8;
	[tilespmem:$0xC180] =	vst v63  }
0x8f: {  	_ = 	snop  }
0x90: {  	[tilespmem:s9], [sflag:$0x1] =	stream.indirect.gather [hbm4b:s8+s4], $0x80, s2, s4, $0xb8;
	[tilespmem:$0xC180] =	vst v63  }
0x91: {  	_ = 	snop  }
0x92: {  	[tilespmem:s11], [sflag:$0x3] =	stream.indirect.gather [hbm4b:s10+s4], $0x80, s5, s4, $0xb8;
	[tilespmem:$0xC180] =	vst v63  }
0x93: {  	_ =	swait.ge [sflag:s12], $0x4000  }
0x94: {  	[sflag:s12] =	ssyncset.done $0x0  }
0x95: {  	[sflag:s12] =	ssyncadd.s32 $0xFFFFC000  }
0x96: {  	_ =	swait.ge [sflag:s13], $0x4000  }
0x97: {  	[sflag:s13] =	ssyncset.done $0x0  }
0x98: {  	[sflag:s13] =	ssyncadd.s32 $0xFFFFC000  }
0x99: {  	_ =	swait.ge [sflag:s14], $0x4000  }
0x9a: {  	s0 =	sshll.u32 s1, $0x4;
	s1 =	ssub.s32 $0x2, s31;
	[sflag:s14] =	ssyncset.done $0x0  }
0x9b: {  	s29 =	sadd.s32 s29, s0;
	s31 =	sshrl.u32 s1, $0x1;
	[sflag:s14] =	ssyncadd.s32 $0xFFFFC000  }
0x9c: {  	[hbm4b:s29+s2] =	stream.linear.scatter [tilespmem:s9], [sflag:$0x4], $0x4000, $0x38;
	[tilespmem:$0xC180] =	vst v63  }
0x9d: {  	s1 =	ssub.s32 s1, s31;
	_ =	swait.ge [sflag:s3], $0x4000  }
0x9e: {  	s1 =	smax.u32 s1, $0x1;
	[sflag:s3] =	ssyncset.done $0x0  }
0x9f: {  	s30 =	sadd.s32 s30, s0;
	p0 =	sne.s32 s1, $0x1;
	[sflag:s3] =	ssyncadd.s32 $0xFFFFC000  }
0xa0: {  	[hbm4b:s30+s2] =	stream.linear.scatter [tilespmem:s7], [sflag:$0x4], $0x4000, $0x38;
	[tilespmem:$0xC180] =	vst v63  }
.Ltmp0:
0xa1: {  	_ =	swait.ge [sflag:s3], $0x4000;
	(pc) =	sbr.rel @!p0 .LBB2_2-.Ltmp0, $4  }
0xa2: {  	[sflag:s3] =	ssyncset.done $0x0;
	s31 =	rddreg [dreg:$0xb]  }
0xa3: {  	s31 =	sadd.s32 s31, s0;
	[sflag:s3] =	ssyncadd.s32 $0xFFFFC000  }
0xa4: {  	[hbm4b:s31+s2] =	stream.linear.scatter [tilespmem:s11], [sflag:$0x4], $0x4000, $0x38;
	[tilespmem:$0xC180] =	vst v63  }
0xa5: {  	s1 =	sadd.s32 $0xFFFFFFFF, s1;
	_ =	swait.ge [sflag:s3], $0x4000  }
.LBB2_1:
0xa6: {  	[sflag:s3] =	ssyncset.done $0x0  }
0xa7: {  	s0 =	rddreg [dreg:$0x3];
	[sflag:s3] =	ssyncadd.s32 $0xFFFFC000  }
0xa8: {  	[tilespmem:s2], [sflag:$0x4] =	stream.linear.gather [hbm4b:s0+s2], $0x80, $0x38;
	[tilespmem:$0xC180] =	vst v63  }
0xa9: {  	_ =	swait.ge [sflag:s3], $0x80  }
0xaa: {  	[sflag:s3] =	ssyncset.done $0x0  }
0xab: {  	s0 =	rddreg [dreg:$0x4];
	[sflag:s3] =	ssyncadd.s32 $0xFFFFFF80  }
0xac: {  	[tilespmem:s4], [sflag:$0x4] =	stream.linear.gather [hbm4b:s0+s2], $0x80, $0x38;
	[tilespmem:$0xC180] =	vst v63  }
0xad: {  	_ =	swait.ge [sflag:s3], $0x80  }
0xae: {  	[sflag:s3] =	ssyncset.done $0x0  }
0xaf: {  	s0 =	rddreg [dreg:$0x5];
	[sflag:s3] =	ssyncadd.s32 $0xFFFFFF80  }
0xb0: {  	[tilespmem:s5], [sflag:$0x4] =	stream.linear.gather [hbm4b:s0+s2], $0x80, $0x38;
	[tilespmem:$0xC180] =	vst v63  }
0xb1: {  	_ =	swait.ge [sflag:s3], $0x80  }
0xb2: {  	[sflag:s3] =	ssyncset.done $0x0  }
0xb3: {  	[sflag:s3] =	ssyncadd.s32 $0xFFFFFF80  }
0xb4: {  	[tilespmem:s7], [sflag:$0x2] =	stream.indirect.gather [hbm4b:s6+s4], $0x80, s4, s4, $0xb8;
	[tilespmem:$0xC180] =	vst v63  }
0xb5: {  	_ = 	snop  }
0xb6: {  	[tilespmem:s9], [sflag:$0x1] =	stream.indirect.gather [hbm4b:s8+s4], $0x80, s2, s4, $0xb8;
	[tilespmem:$0xC180] =	vst v63  }
0xb7: {  	_ = 	snop  }
0xb8: {  	[tilespmem:s11], [sflag:$0x3] =	stream.indirect.gather [hbm4b:s10+s4], $0x80, s5, s4, $0xb8;
	[tilespmem:$0xC180] =	vst v63  }
0xb9: {  	_ =	swait.ge [sflag:s12], $0x4000  }
0xba: {  	[sflag:s12] =	ssyncset.done $0x0  }
0xbb: {  	[sflag:s12] =	ssyncadd.s32 $0xFFFFC000  }
0xbc: {  	_ =	swait.ge [sflag:s13], $0x4000  }
0xbd: {  	[sflag:s13] =	ssyncset.done $0x0  }
0xbe: {  	[sflag:s13] =	ssyncadd.s32 $0xFFFFC000  }
0xbf: {  	_ =	swait.ge [sflag:s14], $0x4000  }
0xc0: {  	[sflag:s14] =	ssyncset.done $0x0  }
0xc1: {  	s0 =	rddreg [dreg:$0x6];
	[sflag:s14] =	ssyncadd.s32 $0xFFFFC000  }
0xc2: {  	[hbm4b:s0+s2] =	stream.linear.scatter [tilespmem:s9], [sflag:$0x4], $0x4000, $0x38;
	[tilespmem:$0xC180] =	vst v63  }
0xc3: {  	_ =	swait.ge [sflag:s3], $0x4000  }
0xc4: {  	[sflag:s3] =	ssyncset.done $0x0  }
0xc5: {  	s0 =	rddreg [dreg:$0x7];
	[sflag:s3] =	ssyncadd.s32 $0xFFFFC000  }
0xc6: {  	[hbm4b:s0+s2] =	stream.linear.scatter [tilespmem:s7], [sflag:$0x4], $0x4000, $0x38;
	[tilespmem:$0xC180] =	vst v63  }
0xc7: {  	_ =	swait.ge [sflag:s3], $0x4000  }
0xc8: {  	[sflag:s3] =	ssyncset.done $0x0  }
0xc9: {  	s0 =	rddreg [dreg:$0x8];
	[sflag:s3] =	ssyncadd.s32 $0xFFFFC000  }
0xca: {  	[hbm4b:s0+s2] =	stream.linear.scatter [tilespmem:s11], [sflag:$0x4], $0x4000, $0x38;
	[tilespmem:$0xC180] =	vst v63  }
0xcb: {  	_ =	swait.ge [sflag:s3], $0x4000  }
0xcc: {  	[sflag:s3] =	ssyncset.done $0x0  }
0xcd: {  	s0 =	rddreg [dreg:$0x9];
	[sflag:s3] =	ssyncadd.s32 $0xFFFFC000  }
0xce: {  	[tilespmem:s2], [sflag:$0x4] =	stream.linear.gather [hbm4b:s0+s2], $0x80, $0x38;
	[tilespmem:$0xC180] =	vst v63  }
0xcf: {  	_ =	swait.ge [sflag:s3], $0x80  }
0xd0: {  	[sflag:s3] =	ssyncset.done $0x0  }
0xd1: {  	s0 =	rddreg [dreg:$0xa];
	[sflag:s3] =	ssyncadd.s32 $0xFFFFFF80  }
0xd2: {  	[tilespmem:s4], [sflag:$0x4] =	stream.linear.gather [hbm4b:s0+s2], $0x80, $0x38;
	[tilespmem:$0xC180] =	vst v63  }
0xd3: {  	_ =	swait.ge [sflag:s3], $0x80  }
0xd4: {  	[sflag:s3] =	ssyncset.done $0x0  }
0xd5: {  	[sflag:s3] =	ssyncadd.s32 $0xFFFFFF80  }
0xd6: {  	[tilespmem:s5], [sflag:$0x4] =	stream.linear.gather [hbm4b:s15+s2], $0x80, $0x38;
	[tilespmem:$0xC180] =	vst v63  }
0xd7: {  	_ =	swait.ge [sflag:s3], $0x80  }
0xd8: {  	[sflag:s3] =	ssyncset.done $0x0  }
0xd9: {  	[sflag:s3] =	ssyncadd.s32 $0xFFFFFF80  }
0xda: {  	[tilespmem:s7], [sflag:$0x2] =	stream.indirect.gather [hbm4b:s6+s4], $0x80, s4, s4, $0xb8;
	[tilespmem:$0xC180] =	vst v63  }
0xdb: {  	_ = 	snop  }
0xdc: {  	[tilespmem:s9], [sflag:$0x1] =	stream.indirect.gather [hbm4b:s8+s4], $0x80, s2, s4, $0xb8;
	[tilespmem:$0xC180] =	vst v63  }
0xdd: {  	_ = 	snop  }
0xde: {  	[tilespmem:s11], [sflag:$0x3] =	stream.indirect.gather [hbm4b:s10+s4], $0x80, s5, s4, $0xb8;
	[tilespmem:$0xC180] =	vst v63  }
0xdf: {  	_ =	swait.ge [sflag:s12], $0x4000  }
0xe0: {  	[sflag:s12] =	ssyncset.done $0x0  }
0xe1: {  	[sflag:s12] =	ssyncadd.s32 $0xFFFFC000  }
0xe2: {  	_ =	swait.ge [sflag:s13], $0x4000  }
0xe3: {  	[sflag:s13] =	ssyncset.done $0x0  }
0xe4: {  	[sflag:s13] =	ssyncadd.s32 $0xFFFFC000  }
0xe5: {  	_ =	swait.ge [sflag:s14], $0x4000  }
0xe6: {  	[sflag:s14] =	ssyncset.done $0x0  }
0xe7: {  	[sflag:s14] =	ssyncadd.s32 $0xFFFFC000  }
0xe8: {  	[hbm4b:s16+s2] =	stream.linear.scatter [tilespmem:s9], [sflag:$0x4], $0x4000, $0x38;
	[tilespmem:$0xC180] =	vst v63  }
0xe9: {  	_ =	swait.ge [sflag:s3], $0x4000  }
0xea: {  	[sflag:s3] =	ssyncset.done $0x0  }
0xeb: {  	[sflag:s3] =	ssyncadd.s32 $0xFFFFC000  }
0xec: {  	[hbm4b:s17+s2] =	stream.linear.scatter [tilespmem:s7], [sflag:$0x4], $0x4000, $0x38;
	[tilespmem:$0xC180] =	vst v63  }
0xed: {  	_ =	swait.ge [sflag:s3], $0x4000  }
0xee: {  	[sflag:s3] =	ssyncset.done $0x0  }
0xef: {  	[sflag:s3] =	ssyncadd.s32 $0xFFFFC000  }
0xf0: {  	[hbm4b:s18+s2] =	stream.linear.scatter [tilespmem:s11], [sflag:$0x4], $0x4000, $0x38;
	[tilespmem:$0xC180] =	vst v63  }
0xf1: {  	_ =	swait.ge [sflag:s3], $0x4000  }
0xf2: {  	[sflag:s3] =	ssyncset.done $0x0  }
0xf3: {  	[sflag:s3] =	ssyncadd.s32 $0xFFFFC000  }
0xf4: {  	[tilespmem:s2], [sflag:$0x4] =	stream.linear.gather [hbm4b:s19+s2], $0x80, $0x38;
	[tilespmem:$0xC180] =	vst v63  }
0xf5: {  	_ =	swait.ge [sflag:s3], $0x80  }
0xf6: {  	[sflag:s3] =	ssyncset.done $0x0  }
0xf7: {  	[sflag:s3] =	ssyncadd.s32 $0xFFFFFF80  }
0xf8: {  	[tilespmem:s4], [sflag:$0x4] =	stream.linear.gather [hbm4b:s20+s2], $0x80, $0x38;
	[tilespmem:$0xC180] =	vst v63  }
0xf9: {  	_ =	swait.ge [sflag:s3], $0x80  }
0xfa: {  	[sflag:s3] =	ssyncset.done $0x0  }
0xfb: {  	[sflag:s3] =	ssyncadd.s32 $0xFFFFFF80  }
0xfc: {  	[tilespmem:s5], [sflag:$0x4] =	stream.linear.gather [hbm4b:s21+s2], $0x80, $0x38;
	[tilespmem:$0xC180] =	vst v63  }
0xfd: {  	_ =	swait.ge [sflag:s3], $0x80  }
0xfe: {  	[sflag:s3] =	ssyncset.done $0x0  }
0xff: {  	[sflag:s3] =	ssyncadd.s32 $0xFFFFFF80  }
0x100: {  	[tilespmem:s7], [sflag:$0x2] =	stream.indirect.gather [hbm4b:s6+s4], $0x80, s4, s4, $0xb8;
	[tilespmem:$0xC180] =	vst v63  }
0x101: {  	_ = 	snop  }
0x102: {  	[tilespmem:s9], [sflag:$0x1] =	stream.indirect.gather [hbm4b:s8+s4], $0x80, s2, s4, $0xb8;
	[tilespmem:$0xC180] =	vst v63  }
0x103: {  	_ = 	snop  }
0x104: {  	[tilespmem:s11], [sflag:$0x3] =	stream.indirect.gather [hbm4b:s10+s4], $0x80, s5, s4, $0xb8;
	[tilespmem:$0xC180] =	vst v63  }
0x105: {  	_ =	swait.ge [sflag:s12], $0x4000  }
0x106: {  	[sflag:s12] =	ssyncset.done $0x0  }
0x107: {  	[sflag:s12] =	ssyncadd.s32 $0xFFFFC000  }
0x108: {  	_ =	swait.ge [sflag:s13], $0x4000  }
0x109: {  	[sflag:s13] =	ssyncset.done $0x0  }
0x10a: {  	[sflag:s13] =	ssyncadd.s32 $0xFFFFC000  }
0x10b: {  	_ =	swait.ge [sflag:s14], $0x4000  }
0x10c: {  	[sflag:s14] =	ssyncset.done $0x0  }
0x10d: {  	[sflag:s14] =	ssyncadd.s32 $0xFFFFC000  }
0x10e: {  	[hbm4b:s22+s2] =	stream.linear.scatter [tilespmem:s9], [sflag:$0x4], $0x4000, $0x38;
	[tilespmem:$0xC180] =	vst v63  }
0x10f: {  	_ =	swait.ge [sflag:s3], $0x4000  }
0x110: {  	[sflag:s3] =	ssyncset.done $0x0  }
0x111: {  	[sflag:s3] =	ssyncadd.s32 $0xFFFFC000  }
0x112: {  	[hbm4b:s23+s2] =	stream.linear.scatter [tilespmem:s7], [sflag:$0x4], $0x4000, $0x38;
	[tilespmem:$0xC180] =	vst v63  }
0x113: {  	_ =	swait.ge [sflag:s3], $0x4000  }
0x114: {  	[sflag:s3] =	ssyncset.done $0x0  }
0x115: {  	[sflag:s3] =	ssyncadd.s32 $0xFFFFC000  }
0x116: {  	[hbm4b:s24+s2] =	stream.linear.scatter [tilespmem:s11], [sflag:$0x4], $0x4000, $0x38;
	[tilespmem:$0xC180] =	vst v63  }
0x117: {  	_ =	swait.ge [sflag:s3], $0x4000  }
0x118: {  	[sflag:s3] =	ssyncset.done $0x0  }
0x119: {  	[sflag:s3] =	ssyncadd.s32 $0xFFFFC000  }
0x11a: {  	[tilespmem:s2], [sflag:$0x4] =	stream.linear.gather [hbm4b:s25+s2], $0x80, $0x38;
	[tilespmem:$0xC180] =	vst v63  }
0x11b: {  	_ =	swait.ge [sflag:s3], $0x80  }
0x11c: {  	[sflag:s3] =	ssyncset.done $0x0  }
0x11d: {  	[sflag:s3] =	ssyncadd.s32 $0xFFFFFF80  }
0x11e: {  	[tilespmem:s4], [sflag:$0x4] =	stream.linear.gather [hbm4b:s26+s2], $0x80, $0x38;
	[tilespmem:$0xC180] =	vst v63  }
0x11f: {  	_ =	swait.ge [sflag:s3], $0x80  }
0x120: {  	[sflag:s3] =	ssyncset.done $0x0  }
0x121: {  	[sflag:s3] =	ssyncadd.s32 $0xFFFFFF80  }
0x122: {  	[tilespmem:s5], [sflag:$0x4] =	stream.linear.gather [hbm4b:s28+s2], $0x80, $0x38;
	[tilespmem:$0xC180] =	vst v63  }
0x123: {  	_ =	swait.ge [sflag:s3], $0x80  }
0x124: {  	[sflag:s3] =	ssyncset.done $0x0  }
0x125: {  	[sflag:s3] =	ssyncadd.s32 $0xFFFFFF80  }
0x126: {  	[tilespmem:s7], [sflag:$0x2] =	stream.indirect.gather [hbm4b:s6+s4], $0x80, s4, s4, $0xb8;
	[tilespmem:$0xC180] =	vst v63  }
0x127: {  	_ = 	snop  }
0x128: {  	[tilespmem:s9], [sflag:$0x1] =	stream.indirect.gather [hbm4b:s8+s4], $0x80, s2, s4, $0xb8;
	[tilespmem:$0xC180] =	vst v63  }
0x129: {  	_ = 	snop  }
0x12a: {  	[tilespmem:s11], [sflag:$0x3] =	stream.indirect.gather [hbm4b:s10+s4], $0x80, s5, s4, $0xb8;
	[tilespmem:$0xC180] =	vst v63  }
0x12b: {  	_ =	swait.ge [sflag:s12], $0x4000  }
0x12c: {  	[sflag:s12] =	ssyncset.done $0x0  }
0x12d: {  	[sflag:s12] =	ssyncadd.s32 $0xFFFFC000  }
0x12e: {  	_ =	swait.ge [sflag:s13], $0x4000  }
0x12f: {  	[sflag:s13] =	ssyncset.done $0x0  }
0x130: {  	[sflag:s13] =	ssyncadd.s32 $0xFFFFC000  }
0x131: {  	_ =	swait.ge [sflag:s14], $0x4000  }
0x132: {  	[sflag:s14] =	ssyncset.done $0x0  }
0x133: {  	[sflag:s14] =	ssyncadd.s32 $0xFFFFC000  }
0x134: {  	[hbm4b:s29+s2] =	stream.linear.scatter [tilespmem:s9], [sflag:$0x4], $0x4000, $0x38;
	[tilespmem:$0xC180] =	vst v63  }
0x135: {  	_ =	swait.ge [sflag:s3], $0x4000  }
0x136: {  	[sflag:s3] =	ssyncset.done $0x0  }
0x137: {  	p0 =	sne.s32 s1, $0x1;
	[sflag:s3] =	ssyncadd.s32 $0xFFFFC000  }
0x138: {  	[hbm4b:s30+s2] =	stream.linear.scatter [tilespmem:s7], [sflag:$0x4], $0x4000, $0x38;
	[tilespmem:$0xC180] =	vst v63  }
.Ltmp1:
0x139: {  	_ =	swait.ge [sflag:s3], $0x4000;
	(pc) =	sbr.rel @p0 .LBB2_1-.Ltmp1, $4  }
0x13a: {  	[sflag:s3] =	ssyncset.done $0x0  }
0x13b: {  	[sflag:s3] =	ssyncadd.s32 $0xFFFFC000  }
0x13c: {  	[hbm4b:s31+s2] =	stream.linear.scatter [tilespmem:s11], [sflag:$0x4], $0x4000, $0x38;
	[tilespmem:$0xC180] =	vst v63  }
0x13d: {  	s1 =	sadd.s32 $0xFFFFFFFF, s1;
	_ =	swait.ge [sflag:s3], $0x4000  }
.LBB2_2:
0x13e: {  	[sflag:s3] =	ssyncset.done $0x0  }
0x13f: {  	[sflag:s3] =	ssyncadd.s32 $0xFFFFC000  }
0x140: {  	_ =	sfence.sel $0x180000  }
0x141: {  	[bflag:$0x0] =	sbarrier.arrive $0xFFFF  }
0x142: {  	_ =	strace $0x90000047  }
0x143: {  	s0 =	stileid.u32;
	[bflag:$0x2] =	sbarrier.arrive $0xFFFF  }
0x144: {  	p0 =	sne.s32 s0, $0x0;
	s0 =	rddreg [dreg:$0x2]  }
0x145: {  	s0 =	sadd.s32 @!p0 $0x100000, s0  }
0x146: {  	[sflag:s0] =	ssyncadd.tile.s32 @!p0 $0x1;
	_ =	shalt  }
.Lfunc_end2:
_tile_overlayer_lowered:
.L_overlay_start_2:
0x147: {  	(tag) =	ssettag $0x2  }
0x148: {  	s0 =	rddreg [dreg:$0x0];
	s2 =	stileid.u32  }
0x149: {  	s1 =	rddreg [dreg:$0x1];
	p0 =	sne.s32 s2, $0x0  }
0x14a: {  	s3 =	rddreg [dreg:$0x2];
	[bflag:$0x3] =	sbarrier.arrive $0xFFFF;
	s2 =	simm.s32 @!p0 $0x1C04  }
0x14b: {  	[timem:s3], [sflag:s2] =	dma.local @!p0 [hbm:s0], s1  }
0x14c: {  	s0 =	simm.s32 @!p0 $0x4  }
0x14d: {  	_ =	swait.ge @!p0 [sflag:s0], s1  }
0x14e: {  	s1 =	ssub.s32 @!p0 $0x0, s1;
	[sflag:s0] =	ssyncset.done @!p0 $0x0  }
0x14f: {  	[sflag:s0] =	ssyncadd.s32 @!p0 s1  }
0x150: {  	[bflag:$0x3] =	sbarrier.arrive $0xFFFF  }
0x151: {  	_ =	shalt  }

</sc_bundles>
